<compile_context>
chip_gen: v7x
topology: tpu7x:2x2x1
jax: 0.10.2.dev20260603
libtpu: 0.0.44.dev20260713+nightly
codegen_flags: <defaults>
</compile_context>

<pallas_src>
import functools

import jax
import jax.numpy as jnp
from jax import lax
from jax.experimental import pallas as pl
from jax.experimental.pallas import tpu as pltpu
from jax.experimental.pallas import tpu_sc as plsc

B = 16384
D = 2048
E = 4
NC = 2
NS = 16
L = 16
NW = NC * NS
RPW = B // NW
RCHUNK = 16
NT = RPW // RCHUNK
CPR = D // L
MMB = 1024
CMB = 2048



def _sc_body(hist_hbm, out_hbm, x_v, out_v, sem):
    wid = lax.axis_index("s") * NC + lax.axis_index("c")
    base = wid * RPW
    iota = lax.iota(jnp.int32, L)
    im1c = jnp.maximum(iota - 1, 0)

    def row_body(t, r, vaccs):
        vs, vf, vu, vp = vaccs
        xr = t % 2 * RCHUNK + r
        rvec = jnp.full((L,), xr, jnp.int32)

        x0 = x_v[xr, pl.ds(0, L)]
        xp0 = plsc.load_gather(x_v, [rvec, im1c])
        xi0 = plsc.bitcast(x0, jnp.int32)
        init = (x0,
                plsc.all_reduce_population_count(xi0 == 0),
                plsc.all_reduce_population_count(
                    xi0 != plsc.bitcast(xp0, jnp.int32)))

        def chunk_body(c, carry):
            s, zc, pc = carry
            o = c * L
            x = x_v[xr, pl.ds(o, L)]
            xp = x_v[xr, pl.ds(o - 1, L)]
            xi = plsc.bitcast(x, jnp.int32)
            s = s + x
            zc = zc + plsc.all_reduce_population_count(xi == 0)
            pc = pc + plsc.all_reduce_population_count(
                xi != plsc.bitcast(xp, jnp.int32))
            return s, zc, pc

        s, zc, pc = lax.fori_loop(1, CPR, chunk_body, init, unroll=4)

        s_t = jnp.sum(s)
        u_t = (jnp.full((L,), D) - zc).astype(jnp.float32)[0]
        p_t = pc.astype(jnp.float32)[0]
        last = x_v[xr, pl.ds(D - L, L)][L - 1]
        freq = (jnp.full((L,), last) / jnp.full((L,), s_t + 1e-6))[0]
        ins = iota == r
        return (jnp.where(ins, s_t, vs), jnp.where(ins, freq, vf),
                jnp.where(ins, u_t, vu), jnp.where(ins, p_t, vp))

    def start_copy(t):
        return pltpu.async_copy(
            hist_hbm.at[pl.ds(base + t * RCHUNK, RCHUNK)],
            x_v.at[pl.ds(t % 2 * RCHUNK, RCHUNK)], sem)

    def wait_copy(t):
        pltpu.make_async_copy(
            hist_hbm.at[pl.ds(base + t * RCHUNK, RCHUNK)],
            x_v.at[pl.ds(t % 2 * RCHUNK, RCHUNK)], sem).wait()

    start_copy(0)

    def stage_body(t, _):
        wait_copy(t)

        @pl.when(t + 1 < NT)
        def _():
            start_copy(t + 1)

        z = jnp.zeros((L,), jnp.float32)
        vs, vf, vu, vp = lax.fori_loop(
            0, RCHUNK, functools.partial(row_body, t), (z, z, z, z))
        out_v[0, pl.ds(t * RCHUNK, RCHUNK)] = vs
        out_v[1, pl.ds(t * RCHUNK, RCHUNK)] = vf
        out_v[2, pl.ds(t * RCHUNK, RCHUNK)] = vu
        out_v[3, pl.ds(t * RCHUNK, RCHUNK)] = vp
        return 0

    lax.fori_loop(0, NT, stage_body, 0)
    pltpu.sync_copy(out_v, out_hbm.at[:, pl.ds(base, RPW)])


_sc_stats = pl.kernel(
    _sc_body,
    out_type=jax.ShapeDtypeStruct((E, B), jnp.float32),
    mesh=plsc.VectorSubcoreMesh(core_axis_name="c", subcore_axis_name="s"),
    compiler_params=pltpu.CompilerParams(
        use_tc_tiling_on_sc=True, needs_layout_passes=False),
    scratch_types=[
        pltpu.VMEM((2 * RCHUNK, D), jnp.float32),
        pltpu.VMEM((E, RPW), jnp.float32),
        pltpu.SemaphoreType.DMA,
    ],
)



def _mm_body(x_ref, w_ref, gb_ref, o_ref):
    xb = x_ref[...].astype(jnp.bfloat16)
    wb = w_ref[...].astype(jnp.bfloat16)
    z = lax.dot_general(xb, wb, (((1,), (0,)), ((), ())),
                        preferred_element_type=jnp.float32)
    o_ref[...] = z + gb_ref[...]


_mm = pl.pallas_call(
    _mm_body,
    grid=(B // MMB,),
    in_specs=[
        pl.BlockSpec((MMB, D), lambda i: (i, 0)),
        pl.BlockSpec((D, E), lambda i: (0, 0)),
        pl.BlockSpec((MMB, E), lambda i: (i, 0)),
    ],
    out_specs=pl.BlockSpec((MMB, E), lambda i: (i, 0)),
    out_shape=jax.ShapeDtypeStruct((B, E), jnp.float32),
)



def _comb_body(zg_ref, st_ref, o_ref):
    z0 = zg_ref[:, 0]
    z1 = zg_ref[:, 1]
    z2 = zg_ref[:, 2]
    z3 = zg_ref[:, 3]
    bst, bi = z0, jnp.zeros_like(z0, dtype=jnp.int32)
    c1 = z1 > bst
    bst, bi = jnp.where(c1, z1, bst), jnp.where(c1, 1, bi)
    c2 = z2 > bst
    bst, bi = jnp.where(c2, z2, bst), jnp.where(c2, 2, bi)
    c3 = z3 > bst
    bi = jnp.where(c3, 3, bi)
    val = jnp.where(bi == 0, st_ref[0, :],
                    jnp.where(bi == 1, st_ref[1, :],
                              jnp.where(bi == 2, st_ref[2, :], st_ref[3, :])))
    o_ref[...] = val


_comb = pl.pallas_call(
    _comb_body,
    grid=(B // CMB,),
    in_specs=[
        pl.BlockSpec((CMB, E), lambda i: (i, 0)),
        pl.BlockSpec((E, CMB), lambda i: (0, i)),
    ],
    out_specs=pl.BlockSpec((CMB,), lambda i: (i,)),
    out_shape=jax.ShapeDtypeStruct((B,), jnp.float32),
)


def kernel(histograms, W, b, gumbel):
    gb = gumbel + b[None, :]
    stats = _sc_stats(histograms)
    zg = _mm(histograms, W.T, gb)
    return _comb(zg, stats)

# --- scband reference (transcript-rebuilt; emitter-appended) ---
"""Pipeline reference for scband-sparse-expert-counting-network-3393024164361 (READ-ONLY COPY).

The authoritative reference and input builder live on the scoring server;
editing this copy changes nothing except your own understanding.
"""

import jax, jax.numpy as jnp
import numpy as np

B = 16384
HIST_DIM = 2048
N_EXPERTS = 4


def setup_inputs(seed: int = 0) -> dict:
    key = jax.random.key(seed)
    k1, k2, k3 = jax.random.split(key, 3)
    histograms = jax.random.uniform(k1, (B, HIST_DIM), dtype=jnp.float32)
    # nn.Linear(hist_dim, n_experts): weight [n_experts, hist_dim], bias [n_experts]
    W = jax.random.normal(k2, (N_EXPERTS, HIST_DIM), dtype=jnp.float32) * (1.0 / np.sqrt(HIST_DIM))
    b = jnp.zeros((N_EXPERTS,), dtype=jnp.float32)
    # gumbel noise materialized as a constant input (torch samples it inside F.gumbel_softmax)
    u = jax.random.uniform(k3, (B, N_EXPERTS), dtype=jnp.float32, minval=1e-6, maxval=1.0 - 1e-6)
    gumbel = -jnp.log(-jnp.log(u))
    return {"histograms": histograms, "W": W, "b": b, "gumbel": gumbel}


def _expert_outputs(x):
    # expert order: Histogram, Frequency, Uniqueness, PatternCount
    hist = x.sum(-1, keepdims=True)  # [B,1]
    total = x.sum(-1, keepdims=True) + 1e-6
    freq = x / total  # [B,D]
    uniq = (x != 0).astype(jnp.float32).sum(-1, keepdims=True)  # [B,1]
    diff = (x[:, 1:] != x[:, :-1]).astype(jnp.float32)
    pad = jnp.zeros((x.shape[0], 1), dtype=jnp.float32)
    pat = jnp.concatenate([pad, diff], axis=1).cumsum(axis=1)  # [B,D]
    # The original torch code writes each expert output into out[...,:1]; vector-valued
    # experts (freq, pat) are reduced to their last column to make shapes consistent
    # (pat[:,-1] = total transition count; see notes).
    return jnp.concatenate([hist[:, -1:], freq[:, -1:], uniq[:, -1:], pat[:, -1:]], axis=1)  # [B,4]


def reference(histograms, W, b, gumbel):
    logits = histograms @ W.T + b  # [B,4]
    # F.gumbel_softmax(hard=True), tau=1
    y_soft = jax.nn.softmax(logits + gumbel, axis=-1)
    idx = jnp.argmax(y_soft, axis=-1)
    y_hard = jax.nn.one_hot(idx, N_EXPERTS, dtype=y_soft.dtype)
    # torch uses a boolean mask routes[...,i] > 0, so no gradient flows to the router
    sel = jax.lax.stop_gradient(y_hard)  # [B,4]
    ex = _expert_outputs(histograms)  # [B,4]
    out = (sel * ex).sum(-1)  # [B]  (== out.squeeze(-1))
    return out

if __name__ == "__main__":
    import jax
    _d = setup_inputs()
    print(jax.jit(kernel)(*tuple(_d.values())))

</pallas_src>

<mosaic_0001>
#map = affine_map<(d0, d1) -> (0, 0)>
module attributes {stable_mosaic.version = 14 : i64} {
  func.func @_sc_body(%arg0: i32, %arg1: i32, %arg2: memref<16384x2048xf32, #tpu.memory_space<hbm>>, %arg3: memref<4x16384xf32, #tpu.memory_space<hbm>>, %arg4: memref<32x2048xf32, #tpu.memory_space<vmem>>, %arg5: memref<4x512xf32, #tpu.memory_space<vmem>>, %arg6: memref<!tpu.dma_semaphore, #tpu.memory_space<semaphore_mem>>) attributes {dimension_semantics = [#tpu.dimension_semantics<core_parallel>, #tpu.dimension_semantics<subcore_parallel>], iteration_bounds = array<i64: 2, 16>, scalar_prefetch = 0 : i64, scratch_operands = 3 : i64, tpu.core_type = #tpu.core_type<sc_vector_subcore>, window_params = [{transform_indices = #map}, {transform_indices = #map}]} {
    %mul3A = arith.constant 2 : i32
    %mul3A_0 = arith.muli %arg1, %mul3A : i32
    %add3A = arith.addi %mul3A_0, %arg0 : i32
    %mul3A_1 = arith.constant 512 : i32
    %mul3A_2 = arith.muli %add3A, %mul3A_1 : i32
    %iota3A = tpu.iota {dimensions = array<i32: 0>} : vector<16xi32>
    %sub3A = arith.constant 1 : i32
    %sub3A_3 = vector.broadcast %sub3A : i32 to vector<16xi32>
    %sub3A_4 = arith.subi %iota3A, %sub3A_3 : vector<16xi32>
    %max3A = arith.constant 0 : i32
    %max3A_5 = vector.broadcast %max3A : i32 to vector<16xi32>
    %max3A_6 = arith.maxsi %sub3A_4, %max3A_5 : vector<16xi32>
    %add3A_7 = arith.constant 0 : i32
    %add3A_8 = arith.addi %mul3A_2, %add3A_7 : i32
    %dma_start3A = arith.constant 0 : i32
    %dma_start3A_9 = arith.constant 0 : i32
    %dma_start3A_10 = tpu.memref_slice %arg4[%dma_start3A, %dma_start3A_9] : memref<32x2048xf32, #tpu.memory_space<vmem>> -> memref<16x2048xf32, #tpu.memory_space<vmem>>
    %dma_start3A_11 = arith.constant 0 : i32
    %dma_start3A_12 = tpu.memref_slice %arg2[%add3A_8, %dma_start3A_11] : memref<16384x2048xf32, #tpu.memory_space<hbm>> -> memref<16x2048xf32, #tpu.memory_space<hbm>>
    %dma_start3A_13 = arith.constant 0 : i32
    %dma_start3A_14 = arith.constant 0 : i32
    %dma_start3A_15 = tpu.memref_slice %arg4[%dma_start3A_13, %dma_start3A_14] : memref<32x2048xf32, #tpu.memory_space<vmem>> -> memref<16x2048xf32, #tpu.memory_space<vmem>>
    %dma_start3A_16 = arith.constant 0 : i32
    %dma_start3A_17 = tpu.memref_slice %arg2[%add3A_8, %dma_start3A_16] : memref<16384x2048xf32, #tpu.memory_space<hbm>> -> memref<16x2048xf32, #tpu.memory_space<hbm>>
    tpu.enqueue_dma source(%dma_start3A_17 : memref<16x2048xf32, #tpu.memory_space<hbm>>) target(%dma_start3A_15 : memref<16x2048xf32, #tpu.memory_space<vmem>>) target_semaphore(%arg6 : memref<!tpu.dma_semaphore, #tpu.memory_space<semaphore_mem>>)
    %scan3A = arith.constant 0 : i32
    %scan3A_18 = arith.constant 0 : i32
    %scan3A_19 = arith.constant 32 : i32
    %scan3A_20 = arith.addi %scan3A_18, %scan3A_19 : i32
    %scan3A_21 = arith.constant 1 : i32
    %scan3A_22 = scf.for %scan3A_24 = %scan3A_18 to %scan3A_20 step %scan3A_21 iter_args(%scan3A_25 = %scan3A) -> (i32)  : i32 {
      %mul3A_26 = arith.constant 16 : i32
      %mul3A_27 = arith.muli %scan3A_24, %mul3A_26 : i32
      %add3A_28 = arith.addi %mul3A_2, %mul3A_27 : i32
      %jit3A = arith.constant 2 : i32
      %eq3A = arith.constant 0 : i32
      %eq3A_29 = arith.cmpi eq, %jit3A, %eq3A : i32
      %jit3A_30 = arith.constant 1 : i32
      %select_n3A = arith.select %eq3A_29, %jit3A_30, %jit3A : i32
      %rem3A = arith.remsi %scan3A_24, %select_n3A : i32
      %ne3A = arith.constant 0 : i32
      %ne3A_31 = arith.cmpi ne, %rem3A, %ne3A : i32
      %lt3A = arith.constant 0 : i32
      %lt3A_32 = arith.cmpi slt, %rem3A, %lt3A : i32
      %lt3A_33 = arith.constant 0 : i32
      %lt3A_34 = arith.cmpi slt, %select_n3A, %lt3A_33 : i32
      %ne3A_35 = arith.xori %lt3A_32, %lt3A_34 : i1
      %and3A = arith.andi %ne3A_35, %ne3A_31 : i1
      %add3A_36 = arith.addi %rem3A, %select_n3A : i32
      %select_n3A_37 = arith.select %and3A, %add3A_36, %rem3A : i32
      %mul3A_38 = arith.constant 16 : i32
      %mul3A_39 = arith.muli %select_n3A_37, %mul3A_38 : i32
      %dma_wait3A = arith.constant 0 : i32
      %dma_wait3A_40 = tpu.memref_slice %arg4[%mul3A_39, %dma_wait3A] : memref<32x2048xf32, #tpu.memory_space<vmem>> -> memref<16x2048xf32, #tpu.memory_space<vmem>>
      %dma_wait3A_41 = arith.constant 0 : i32
      %dma_wait3A_42 = tpu.memref_slice %arg2[%add3A_28, %dma_wait3A_41] : memref<16384x2048xf32, #tpu.memory_space<hbm>> -> memref<16x2048xf32, #tpu.memory_space<hbm>>
      %dma_wait3A_43 = arith.constant 0 : i32
      %dma_wait3A_44 = tpu.memref_slice %arg4[%mul3A_39, %dma_wait3A_43] : memref<32x2048xf32, #tpu.memory_space<vmem>> -> memref<16x2048xf32, #tpu.memory_space<vmem>>
      %dma_wait3A_45 = arith.constant 0 : i32
      %dma_wait3A_46 = tpu.memref_slice %arg2[%add3A_28, %dma_wait3A_45] : memref<16384x2048xf32, #tpu.memory_space<hbm>> -> memref<16x2048xf32, #tpu.memory_space<hbm>>
      tpu.wait_dma2 semaphore(%arg6 : memref<!tpu.dma_semaphore, #tpu.memory_space<semaphore_mem>>) src(%dma_wait3A_46 : memref<16x2048xf32, #tpu.memory_space<hbm>>) dst(%dma_wait3A_44 : memref<16x2048xf32, #tpu.memory_space<vmem>>)
      %add3A_47 = arith.constant 1 : i32
      %add3A_48 = arith.addi %scan3A_24, %add3A_47 : i32
      %lt3A_49 = arith.constant 32 : i32
      %lt3A_50 = arith.cmpi slt, %add3A_48, %lt3A_49 : i32
      %convert_element_type3A = arith.extui %lt3A_50 : i1 to i32
      %cond3A = arith.constant 0 : i32
      %cond3A_51 = arith.cmpi ne, %convert_element_type3A, %cond3A : i32
      scf.if %cond3A_51 {
        %add3A_83 = arith.constant 1 : i32
        %add3A_84 = arith.addi %scan3A_24, %add3A_83 : i32
        %mul3A_85 = arith.constant 16 : i32
        %mul3A_86 = arith.muli %add3A_84, %mul3A_85 : i32
        %add3A_87 = arith.addi %mul3A_2, %mul3A_86 : i32
        %jit3A_88 = arith.constant 2 : i32
        %eq3A_89 = arith.constant 0 : i32
        %eq3A_90 = arith.cmpi eq, %jit3A_88, %eq3A_89 : i32
        %jit3A_91 = arith.constant 1 : i32
        %select_n3A_92 = arith.select %eq3A_90, %jit3A_91, %jit3A_88 : i32
        %rem3A_93 = arith.remsi %add3A_84, %select_n3A_92 : i32
        %ne3A_94 = arith.constant 0 : i32
        %ne3A_95 = arith.cmpi ne, %rem3A_93, %ne3A_94 : i32
        %lt3A_96 = arith.constant 0 : i32
        %lt3A_97 = arith.cmpi slt, %rem3A_93, %lt3A_96 : i32
        %lt3A_98 = arith.constant 0 : i32
        %lt3A_99 = arith.cmpi slt, %select_n3A_92, %lt3A_98 : i32
        %ne3A_100 = arith.xori %lt3A_97, %lt3A_99 : i1
        %and3A_101 = arith.andi %ne3A_100, %ne3A_95 : i1
        %add3A_102 = arith.addi %rem3A_93, %select_n3A_92 : i32
        %select_n3A_103 = arith.select %and3A_101, %add3A_102, %rem3A_93 : i32
        %mul3A_104 = arith.constant 16 : i32
        %mul3A_105 = arith.muli %select_n3A_103, %mul3A_104 : i32
        %dma_start3A_106 = arith.constant 0 : i32
        %dma_start3A_107 = tpu.memref_slice %arg4[%mul3A_105, %dma_start3A_106] : memref<32x2048xf32, #tpu.memory_space<vmem>> -> memref<16x2048xf32, #tpu.memory_space<vmem>>
        %dma_start3A_108 = arith.constant 0 : i32
        %dma_start3A_109 = tpu.memref_slice %arg2[%add3A_87, %dma_start3A_108] : memref<16384x2048xf32, #tpu.memory_space<hbm>> -> memref<16x2048xf32, #tpu.memory_space<hbm>>
        %dma_start3A_110 = arith.constant 0 : i32
        %dma_start3A_111 = tpu.memref_slice %arg4[%mul3A_105, %dma_start3A_110] : memref<32x2048xf32, #tpu.memory_space<vmem>> -> memref<16x2048xf32, #tpu.memory_space<vmem>>
        %dma_start3A_112 = arith.constant 0 : i32
        %dma_start3A_113 = tpu.memref_slice %arg2[%add3A_87, %dma_start3A_112] : memref<16384x2048xf32, #tpu.memory_space<hbm>> -> memref<16x2048xf32, #tpu.memory_space<hbm>>
        tpu.enqueue_dma source(%dma_start3A_113 : memref<16x2048xf32, #tpu.memory_space<hbm>>) target(%dma_start3A_111 : memref<16x2048xf32, #tpu.memory_space<vmem>>) target_semaphore(%arg6 : memref<!tpu.dma_semaphore, #tpu.memory_space<semaphore_mem>>)
      } else {
      }
      %broadcast_in_dim3A = arith.constant 0.000000e+00 : f32
      %broadcast_in_dim3A_52 = vector.broadcast %broadcast_in_dim3A : f32 to vector<16xf32>
      %scan3A_53 = arith.constant 0 : i32
      %scan3A_54 = arith.constant 16 : i32
      %scan3A_55 = arith.addi %scan3A_53, %scan3A_54 : i32
      %scan3A_56 = arith.constant 1 : i32
      %scan3A_57:4 = scf.for %scan3A_83 = %scan3A_53 to %scan3A_55 step %scan3A_56 iter_args(%scan3A_84 = %broadcast_in_dim3A_52, %scan3A_85 = %broadcast_in_dim3A_52, %scan3A_86 = %broadcast_in_dim3A_52, %scan3A_87 = %broadcast_in_dim3A_52) -> (vector<16xf32>, vector<16xf32>, vector<16xf32>, vector<16xf32>)  : i32 {
        %jit3A_88 = arith.constant 2 : i32
        %eq3A_89 = arith.constant 0 : i32
        %eq3A_90 = arith.cmpi eq, %jit3A_88, %eq3A_89 : i32
        %jit3A_91 = arith.constant 1 : i32
        %select_n3A_92 = arith.select %eq3A_90, %jit3A_91, %jit3A_88 : i32
        %rem3A_93 = arith.remsi %scan3A_24, %select_n3A_92 : i32
        %ne3A_94 = arith.constant 0 : i32
        %ne3A_95 = arith.cmpi ne, %rem3A_93, %ne3A_94 : i32
        %lt3A_96 = arith.constant 0 : i32
        %lt3A_97 = arith.cmpi slt, %rem3A_93, %lt3A_96 : i32
        %lt3A_98 = arith.constant 0 : i32
        %lt3A_99 = arith.cmpi slt, %select_n3A_92, %lt3A_98 : i32
        %ne3A_100 = arith.xori %lt3A_97, %lt3A_99 : i1
        %and3A_101 = arith.andi %ne3A_100, %ne3A_95 : i1
        %add3A_102 = arith.addi %rem3A_93, %select_n3A_92 : i32
        %select_n3A_103 = arith.select %and3A_101, %add3A_102, %rem3A_93 : i32
        %mul3A_104 = arith.constant 16 : i32
        %mul3A_105 = arith.muli %select_n3A_103, %mul3A_104 : i32
        %add3A_106 = arith.addi %mul3A_105, %scan3A_83 : i32
        %broadcast_in_dim3A_107 = vector.broadcast %add3A_106 : i32 to vector<16xi32>
        %get3A = arith.index_cast %add3A_106 : i32 to index
        %get3A_108 = arith.constant 0 : index
        %get3A_109 = tpu.vector_load %arg4[%get3A, %get3A_108] {strides = array<i32>} : memref<32x2048xf32, #tpu.memory_space<vmem>>, vector<16xf32>,
        %gather3A = tpu.vector_load_idx %arg4[%broadcast_in_dim3A_107, %max3A_6] : memref<32x2048xf32, #tpu.memory_space<vmem>>[vector<16xi32>, vector<16xi32>], vector<16xf32>,
        %bitcast3A = vector.bitcast %get3A_109 : vector<16xf32> to vector<16xi32>
        %eq3A_110 = arith.constant 0 : i32
        %eq3A_111 = vector.broadcast %eq3A_110 : i32 to vector<16xi32>
        %eq3A_112 = arith.cmpi eq, %bitcast3A, %eq3A_111 : vector<16xi32>
        %all_reduce_population_count3A = tpu.all_reduce %eq3A_112 {dim = 0 : i64, kind = #tpu.reduction_kind<sum>} : vector<16xi1> -> vector<16xi32>
        %bitcast3A_113 = vector.bitcast %gather3A : vector<16xf32> to vector<16xi32>
        %ne3A_114 = arith.cmpi ne, %bitcast3A, %bitcast3A_113 : vector<16xi32>
        %all_reduce_population_count3A_115 = tpu.all_reduce %ne3A_114 {dim = 0 : i64, kind = #tpu.reduction_kind<sum>} : vector<16xi1> -> vector<16xi32>
        %scan3A_116 = arith.constant 1 : i32
        %scan3A_117 = arith.constant 124 : i32
        %scan3A_118 = arith.addi %scan3A_116, %scan3A_117 : i32
        %scan3A_119 = arith.constant 4 : i32
        %scan3A_120:3 = scf.for %scan3A_222 = %scan3A_116 to %scan3A_118 step %scan3A_119 iter_args(%scan3A_223 = %get3A_109, %scan3A_224 = %all_reduce_population_count3A, %scan3A_225 = %all_reduce_population_count3A_115) -> (vector<16xf32>, vector<16xi32>, vector<16xi32>)  : i32 {
          %mul3A_226 = arith.constant 16 : i32
          %mul3A_227 = arith.muli %scan3A_222, %mul3A_226 : i32
          %get3A_228 = arith.index_cast %add3A_106 : i32 to index
          %get3A_229 = arith.index_cast %mul3A_227 : i32 to index
          %get3A_230 = tpu.vector_load %arg4[%get3A_228, %get3A_229] {strides = array<i32>} : memref<32x2048xf32, #tpu.memory_space<vmem>>, vector<16xf32>,
          %sub3A_231 = arith.constant 1 : i32
          %sub3A_232 = arith.subi %mul3A_227, %sub3A_231 : i32
          %get3A_233 = arith.index_cast %add3A_106 : i32 to index
          %get3A_234 = arith.index_cast %sub3A_232 : i32 to index
          %get3A_235 = tpu.vector_load %arg4[%get3A_233, %get3A_234] {strides = array<i32>} : memref<32x2048xf32, #tpu.memory_space<vmem>>, vector<16xf32>,
          %bitcast3A_236 = vector.bitcast %get3A_230 : vector<16xf32> to vector<16xi32>
          %add3A_237 = arith.addf %scan3A_223, %get3A_230 : vector<16xf32>
          %eq3A_238 = arith.constant 0 : i32
          %eq3A_239 = vector.broadcast %eq3A_238 : i32 to vector<16xi32>
          %eq3A_240 = arith.cmpi eq, %bitcast3A_236, %eq3A_239 : vector<16xi32>
          %all_reduce_population_count3A_241 = tpu.all_reduce %eq3A_240 {dim = 0 : i64, kind = #tpu.reduction_kind<sum>} : vector<16xi1> -> vector<16xi32>
          %add3A_242 = arith.addi %scan3A_224, %all_reduce_population_count3A_241 : vector<16xi32>
          %bitcast3A_243 = vector.bitcast %get3A_235 : vector<16xf32> to vector<16xi32>
          %ne3A_244 = arith.cmpi ne, %bitcast3A_236, %bitcast3A_243 : vector<16xi32>
          %all_reduce_population_count3A_245 = tpu.all_reduce %ne3A_244 {dim = 0 : i64, kind = #tpu.reduction_kind<sum>} : vector<16xi1> -> vector<16xi32>
          %add3A_246 = arith.addi %scan3A_225, %all_reduce_population_count3A_245 : vector<16xi32>
          %scan3A_247 = arith.constant 1 : i32
          %scan3A_248 = arith.addi %scan3A_222, %scan3A_247 : i32
          %mul3A_249 = arith.constant 16 : i32
          %mul3A_250 = arith.muli %scan3A_248, %mul3A_249 : i32
          %get3A_251 = arith.index_cast %add3A_106 : i32 to index
          %get3A_252 = arith.index_cast %mul3A_250 : i32 to index
          %get3A_253 = tpu.vector_load %arg4[%get3A_251, %get3A_252] {strides = array<i32>} : memref<32x2048xf32, #tpu.memory_space<vmem>>, vector<16xf32>,
          %sub3A_254 = arith.constant 1 : i32
          %sub3A_255 = arith.subi %mul3A_250, %sub3A_254 : i32
          %get3A_256 = arith.index_cast %add3A_106 : i32 to index
          %get3A_257 = arith.index_cast %sub3A_255 : i32 to index
          %get3A_258 = tpu.vector_load %arg4[%get3A_256, %get3A_257] {strides = array<i32>} : memref<32x2048xf32, #tpu.memory_space<vmem>>, vector<16xf32>,
          %bitcast3A_259 = vector.bitcast %get3A_253 : vector<16xf32> to vector<16xi32>
          %add3A_260 = arith.addf %add3A_237, %get3A_253 : vector<16xf32>
          %eq3A_261 = arith.constant 0 : i32
          %eq3A_262 = vector.broadcast %eq3A_261 : i32 to vector<16xi32>
          %eq3A_263 = arith.cmpi eq, %bitcast3A_259, %eq3A_262 : vector<16xi32>
          %all_reduce_population_count3A_264 = tpu.all_reduce %eq3A_263 {dim = 0 : i64, kind = #tpu.reduction_kind<sum>} : vector<16xi1> -> vector<16xi32>
          %add3A_265 = arith.addi %add3A_242, %all_reduce_population_count3A_264 : vector<16xi32>
          %bitcast3A_266 = vector.bitcast %get3A_258 : vector<16xf32> to vector<16xi32>
          %ne3A_267 = arith.cmpi ne, %bitcast3A_259, %bitcast3A_266 : vector<16xi32>
          %all_reduce_population_count3A_268 = tpu.all_reduce %ne3A_267 {dim = 0 : i64, kind = #tpu.reduction_kind<sum>} : vector<16xi1> -> vector<16xi32>
          %add3A_269 = arith.addi %add3A_246, %all_reduce_population_count3A_268 : vector<16xi32>
          %scan3A_270 = arith.constant 2 : i32
          %scan3A_271 = arith.addi %scan3A_222, %scan3A_270 : i32
          %mul3A_272 = arith.constant 16 : i32
          %mul3A_273 = arith.muli %scan3A_271, %mul3A_272 : i32
          %get3A_274 = arith.index_cast %add3A_106 : i32 to index
          %get3A_275 = arith.index_cast %mul3A_273 : i32 to index
          %get3A_276 = tpu.vector_load %arg4[%get3A_274, %get3A_275] {strides = array<i32>} : memref<32x2048xf32, #tpu.memory_space<vmem>>, vector<16xf32>,
          %sub3A_277 = arith.constant 1 : i32
          %sub3A_278 = arith.subi %mul3A_273, %sub3A_277 : i32
          %get3A_279 = arith.index_cast %add3A_106 : i32 to index
          %get3A_280 = arith.index_cast %sub3A_278 : i32 to index
          %get3A_281 = tpu.vector_load %arg4[%get3A_279, %get3A_280] {strides = array<i32>} : memref<32x2048xf32, #tpu.memory_space<vmem>>, vector<16xf32>,
          %bitcast3A_282 = vector.bitcast %get3A_276 : vector<16xf32> to vector<16xi32>
          %add3A_283 = arith.addf %add3A_260, %get3A_276 : vector<16xf32>
          %eq3A_284 = arith.constant 0 : i32
          %eq3A_285 = vector.broadcast %eq3A_284 : i32 to vector<16xi32>
          %eq3A_286 = arith.cmpi eq, %bitcast3A_282, %eq3A_285 : vector<16xi32>
          %all_reduce_population_count3A_287 = tpu.all_reduce %eq3A_286 {dim = 0 : i64, kind = #tpu.reduction_kind<sum>} : vector<16xi1> -> vector<16xi32>
          %add3A_288 = arith.addi %add3A_265, %all_reduce_population_count3A_287 : vector<16xi32>
          %bitcast3A_289 = vector.bitcast %get3A_281 : vector<16xf32> to vector<16xi32>
          %ne3A_290 = arith.cmpi ne, %bitcast3A_282, %bitcast3A_289 : vector<16xi32>
          %all_reduce_population_count3A_291 = tpu.all_reduce %ne3A_290 {dim = 0 : i64, kind = #tpu.reduction_kind<sum>} : vector<16xi1> -> vector<16xi32>
          %add3A_292 = arith.addi %add3A_269, %all_reduce_population_count3A_291 : vector<16xi32>
          %scan3A_293 = arith.constant 3 : i32
          %scan3A_294 = arith.addi %scan3A_222, %scan3A_293 : i32
          %mul3A_295 = arith.constant 16 : i32
          %mul3A_296 = arith.muli %scan3A_294, %mul3A_295 : i32
          %get3A_297 = arith.index_cast %add3A_106 : i32 to index
          %get3A_298 = arith.index_cast %mul3A_296 : i32 to index
          %get3A_299 = tpu.vector_load %arg4[%get3A_297, %get3A_298] {strides = array<i32>} : memref<32x2048xf32, #tpu.memory_space<vmem>>, vector<16xf32>,
          %sub3A_300 = arith.constant 1 : i32
          %sub3A_301 = arith.subi %mul3A_296, %sub3A_300 : i32
          %get3A_302 = arith.index_cast %add3A_106 : i32 to index
          %get3A_303 = arith.index_cast %sub3A_301 : i32 to index
          %get3A_304 = tpu.vector_load %arg4[%get3A_302, %get3A_303] {strides = array<i32>} : memref<32x2048xf32, #tpu.memory_space<vmem>>, vector<16xf32>,
          %bitcast3A_305 = vector.bitcast %get3A_299 : vector<16xf32> to vector<16xi32>
          %add3A_306 = arith.addf %add3A_283, %get3A_299 : vector<16xf32>
          %eq3A_307 = arith.constant 0 : i32
          %eq3A_308 = vector.broadcast %eq3A_307 : i32 to vector<16xi32>
          %eq3A_309 = arith.cmpi eq, %bitcast3A_305, %eq3A_308 : vector<16xi32>
          %all_reduce_population_count3A_310 = tpu.all_reduce %eq3A_309 {dim = 0 : i64, kind = #tpu.reduction_kind<sum>} : vector<16xi1> -> vector<16xi32>
          %add3A_311 = arith.addi %add3A_288, %all_reduce_population_count3A_310 : vector<16xi32>
          %bitcast3A_312 = vector.bitcast %get3A_304 : vector<16xf32> to vector<16xi32>
          %ne3A_313 = arith.cmpi ne, %bitcast3A_305, %bitcast3A_312 : vector<16xi32>
          %all_reduce_population_count3A_314 = tpu.all_reduce %ne3A_313 {dim = 0 : i64, kind = #tpu.reduction_kind<sum>} : vector<16xi1> -> vector<16xi32>
          %add3A_315 = arith.addi %add3A_292, %all_reduce_population_count3A_314 : vector<16xi32>
          scf.yield %add3A_306, %add3A_311, %add3A_315 : vector<16xf32>, vector<16xi32>, vector<16xi32>
        }
        %scan3A_121 = arith.constant 124 : i32
        %scan3A_122 = arith.addi %scan3A_116, %scan3A_121 : i32
        %mul3A_123 = arith.constant 16 : i32
        %mul3A_124 = arith.muli %scan3A_122, %mul3A_123 : i32
        %get3A_125 = arith.index_cast %add3A_106 : i32 to index
        %get3A_126 = arith.index_cast %mul3A_124 : i32 to index
        %get3A_127 = tpu.vector_load %arg4[%get3A_125, %get3A_126] {strides = array<i32>} : memref<32x2048xf32, #tpu.memory_space<vmem>>, vector<16xf32>,
        %sub3A_128 = arith.constant 1 : i32
        %sub3A_129 = arith.subi %mul3A_124, %sub3A_128 : i32
        %get3A_130 = arith.index_cast %add3A_106 : i32 to index
        %get3A_131 = arith.index_cast %sub3A_129 : i32 to index
        %get3A_132 = tpu.vector_load %arg4[%get3A_130, %get3A_131] {strides = array<i32>} : memref<32x2048xf32, #tpu.memory_space<vmem>>, vector<16xf32>,
        %bitcast3A_133 = vector.bitcast %get3A_127 : vector<16xf32> to vector<16xi32>
        %add3A_134 = arith.addf %scan3A_120#0, %get3A_127 : vector<16xf32>
        %eq3A_135 = arith.constant 0 : i32
        %eq3A_136 = vector.broadcast %eq3A_135 : i32 to vector<16xi32>
        %eq3A_137 = arith.cmpi eq, %bitcast3A_133, %eq3A_136 : vector<16xi32>
        %all_reduce_population_count3A_138 = tpu.all_reduce %eq3A_137 {dim = 0 : i64, kind = #tpu.reduction_kind<sum>} : vector<16xi1> -> vector<16xi32>
        %add3A_139 = arith.addi %scan3A_120#1, %all_reduce_population_count3A_138 : vector<16xi32>
        %bitcast3A_140 = vector.bitcast %get3A_132 : vector<16xf32> to vector<16xi32>
        %ne3A_141 = arith.cmpi ne, %bitcast3A_133, %bitcast3A_140 : vector<16xi32>
        %all_reduce_population_count3A_142 = tpu.all_reduce %ne3A_141 {dim = 0 : i64, kind = #tpu.reduction_kind<sum>} : vector<16xi1> -> vector<16xi32>
        %add3A_143 = arith.addi %scan3A_120#2, %all_reduce_population_count3A_142 : vector<16xi32>
        %scan3A_144 = arith.constant 125 : i32
        %scan3A_145 = arith.addi %scan3A_116, %scan3A_144 : i32
        %mul3A_146 = arith.constant 16 : i32
        %mul3A_147 = arith.muli %scan3A_145, %mul3A_146 : i32
        %get3A_148 = arith.index_cast %add3A_106 : i32 to index
        %get3A_149 = arith.index_cast %mul3A_147 : i32 to index
        %get3A_150 = tpu.vector_load %arg4[%get3A_148, %get3A_149] {strides = array<i32>} : memref<32x2048xf32, #tpu.memory_space<vmem>>, vector<16xf32>,
        %sub3A_151 = arith.constant 1 : i32
        %sub3A_152 = arith.subi %mul3A_147, %sub3A_151 : i32
        %get3A_153 = arith.index_cast %add3A_106 : i32 to index
        %get3A_154 = arith.index_cast %sub3A_152 : i32 to index
        %get3A_155 = tpu.vector_load %arg4[%get3A_153, %get3A_154] {strides = array<i32>} : memref<32x2048xf32, #tpu.memory_space<vmem>>, vector<16xf32>,
        %bitcast3A_156 = vector.bitcast %get3A_150 : vector<16xf32> to vector<16xi32>
        %add3A_157 = arith.addf %add3A_134, %get3A_150 : vector<16xf32>
        %eq3A_158 = arith.constant 0 : i32
        %eq3A_159 = vector.broadcast %eq3A_158 : i32 to vector<16xi32>
        %eq3A_160 = arith.cmpi eq, %bitcast3A_156, %eq3A_159 : vector<16xi32>
        %all_reduce_population_count3A_161 = tpu.all_reduce %eq3A_160 {dim = 0 : i64, kind = #tpu.reduction_kind<sum>} : vector<16xi1> -> vector<16xi32>
        %add3A_162 = arith.addi %add3A_139, %all_reduce_population_count3A_161 : vector<16xi32>
        %bitcast3A_163 = vector.bitcast %get3A_155 : vector<16xf32> to vector<16xi32>
        %ne3A_164 = arith.cmpi ne, %bitcast3A_156, %bitcast3A_163 : vector<16xi32>
        %all_reduce_population_count3A_165 = tpu.all_reduce %ne3A_164 {dim = 0 : i64, kind = #tpu.reduction_kind<sum>} : vector<16xi1> -> vector<16xi32>
        %add3A_166 = arith.addi %add3A_143, %all_reduce_population_count3A_165 : vector<16xi32>
        %scan3A_167 = arith.constant 126 : i32
        %scan3A_168 = arith.addi %scan3A_116, %scan3A_167 : i32
        %mul3A_169 = arith.constant 16 : i32
        %mul3A_170 = arith.muli %scan3A_168, %mul3A_169 : i32
        %get3A_171 = arith.index_cast %add3A_106 : i32 to index
        %get3A_172 = arith.index_cast %mul3A_170 : i32 to index
        %get3A_173 = tpu.vector_load %arg4[%get3A_171, %get3A_172] {strides = array<i32>} : memref<32x2048xf32, #tpu.memory_space<vmem>>, vector<16xf32>,
        %sub3A_174 = arith.constant 1 : i32
        %sub3A_175 = arith.subi %mul3A_170, %sub3A_174 : i32
        %get3A_176 = arith.index_cast %add3A_106 : i32 to index
        %get3A_177 = arith.index_cast %sub3A_175 : i32 to index
        %get3A_178 = tpu.vector_load %arg4[%get3A_176, %get3A_177] {strides = array<i32>} : memref<32x2048xf32, #tpu.memory_space<vmem>>, vector<16xf32>,
        %bitcast3A_179 = vector.bitcast %get3A_173 : vector<16xf32> to vector<16xi32>
        %add3A_180 = arith.addf %add3A_157, %get3A_173 : vector<16xf32>
        %eq3A_181 = arith.constant 0 : i32
        %eq3A_182 = vector.broadcast %eq3A_181 : i32 to vector<16xi32>
        %eq3A_183 = arith.cmpi eq, %bitcast3A_179, %eq3A_182 : vector<16xi32>
        %all_reduce_population_count3A_184 = tpu.all_reduce %eq3A_183 {dim = 0 : i64, kind = #tpu.reduction_kind<sum>} : vector<16xi1> -> vector<16xi32>
        %add3A_185 = arith.addi %add3A_162, %all_reduce_population_count3A_184 : vector<16xi32>
        %bitcast3A_186 = vector.bitcast %get3A_178 : vector<16xf32> to vector<16xi32>
        %ne3A_187 = arith.cmpi ne, %bitcast3A_179, %bitcast3A_186 : vector<16xi32>
        %all_reduce_population_count3A_188 = tpu.all_reduce %ne3A_187 {dim = 0 : i64, kind = #tpu.reduction_kind<sum>} : vector<16xi1> -> vector<16xi32>
        %add3A_189 = arith.addi %add3A_166, %all_reduce_population_count3A_188 : vector<16xi32>
        %scan3A_190 = arith.constant 127 : i32
        %reduce_sum3A = arith.constant true
        %reduce_sum3A_191 = vector.broadcast %reduce_sum3A : i1 to vector<16xi1>
        %reduce_sum3A_192 = tpu.scan <sum>, %add3A_180 masked %reduce_sum3A_191 : vector<16xf32>, vector<16xi1> -> vector<16xf32>
        %reduce_sum3A_193 = vector.extract %reduce_sum3A_192[15] : f32 from vector<16xf32>
        %broadcast_in_dim3A_194 = arith.constant 2048 : i32
        %broadcast_in_dim3A_195 = vector.broadcast %broadcast_in_dim3A_194 : i32 to vector<16xi32>
        %sub3A_196 = arith.subi %broadcast_in_dim3A_195, %add3A_185 : vector<16xi32>
        %convert_element_type3A_197 = arith.sitofp %sub3A_196 : vector<16xi32> to vector<16xf32>
        %slice3A = vector.extract_strided_slice %convert_element_type3A_197 {offsets = [0], sizes = [1], strides = [1]} : vector<16xf32> to vector<1xf32>
        %squeeze3A = vector.extract %slice3A[0] : f32 from vector<1xf32>
        %convert_element_type3A_198 = arith.sitofp %add3A_189 : vector<16xi32> to vector<16xf32>
        %slice3A_199 = vector.extract_strided_slice %convert_element_type3A_198 {offsets = [0], sizes = [1], strides = [1]} : vector<16xf32> to vector<1xf32>
        %squeeze3A_200 = vector.extract %slice3A_199[0] : f32 from vector<1xf32>
        %get3A_201 = arith.index_cast %add3A_106 : i32 to index
        %get3A_202 = arith.constant 2032 : index
        %get3A_203 = tpu.vector_load %arg4[%get3A_201, %get3A_202] {strides = array<i32>} : memref<32x2048xf32, #tpu.memory_space<vmem>>, vector<16xf32>,
        %slice3A_204 = vector.extract_strided_slice %get3A_203 {offsets = [15], sizes = [1], strides = [1]} : vector<16xf32> to vector<1xf32>
        %squeeze3A_205 = vector.extract %slice3A_204[0] : f32 from vector<1xf32>
        %broadcast_in_dim3A_206 = vector.broadcast %squeeze3A_205 : f32 to vector<16xf32>
        %add3A_207 = arith.constant 9.99999997E-7 : f32
        %add3A_208 = arith.addf %reduce_sum3A_193, %add3A_207 : f32
        %broadcast_in_dim3A_209 = vector.broadcast %add3A_208 : f32 to vector<16xf32>
        %div3A = arith.divf %broadcast_in_dim3A_206, %broadcast_in_dim3A_209 : vector<16xf32>
        %slice3A_210 = vector.extract_strided_slice %div3A {offsets = [0], sizes = [1], strides = [1]} : vector<16xf32> to vector<1xf32>
        %squeeze3A_211 = vector.extract %slice3A_210[0] : f32 from vector<1xf32>
        %eq3A_212 = vector.broadcast %scan3A_83 : i32 to vector<16xi32>
        %eq3A_213 = arith.cmpi eq, %iota3A, %eq3A_212 : vector<16xi32>
        %broadcast_in_dim3A_214 = vector.broadcast %reduce_sum3A_193 : f32 to vector<16xf32>
        %select_n3A_215 = arith.select %eq3A_213, %broadcast_in_dim3A_214, %scan3A_84 : vector<16xi1>, vector<16xf32>
        %broadcast_in_dim3A_216 = vector.broadcast %squeeze3A_211 : f32 to vector<16xf32>
        %select_n3A_217 = arith.select %eq3A_213, %broadcast_in_dim3A_216, %scan3A_85 : vector<16xi1>, vector<16xf32>
        %broadcast_in_dim3A_218 = vector.broadcast %squeeze3A : f32 to vector<16xf32>
        %select_n3A_219 = arith.select %eq3A_213, %broadcast_in_dim3A_218, %scan3A_86 : vector<16xi1>, vector<16xf32>
        %broadcast_in_dim3A_220 = vector.broadcast %squeeze3A_200 : f32 to vector<16xf32>
        %select_n3A_221 = arith.select %eq3A_213, %broadcast_in_dim3A_220, %scan3A_87 : vector<16xi1>, vector<16xf32>
        scf.yield %select_n3A_215, %select_n3A_217, %select_n3A_219, %select_n3A_221 : vector<16xf32>, vector<16xf32>, vector<16xf32>, vector<16xf32>
      }
      %scan3A_58 = arith.constant 16 : i32
      %mul3A_59 = arith.constant 16 : i32
      %mul3A_60 = arith.muli %scan3A_24, %mul3A_59 : i32
      %swap3A = arith.constant 0 : i32
      %swap3A_61 = arith.index_cast %swap3A : i32 to index
      %swap3A_62 = arith.index_cast %mul3A_60 : i32 to index
      %swap3A_63 = tpu.vector_load %arg5[%swap3A_61, %swap3A_62] {strides = array<i32>} : memref<4x512xf32, #tpu.memory_space<vmem>>, vector<16xf32>,
      tpu.vector_store %arg5[%swap3A_61, %swap3A_62], %scan3A_57#0 {strides = array<i32>} : memref<4x512xf32, #tpu.memory_space<vmem>>, vector<16xf32>,
      %mul3A_64 = arith.constant 16 : i32
      %mul3A_65 = arith.muli %scan3A_24, %mul3A_64 : i32
      %swap3A_66 = arith.constant 1 : i32
      %swap3A_67 = arith.index_cast %swap3A_66 : i32 to index
      %swap3A_68 = arith.index_cast %mul3A_65 : i32 to index
      %swap3A_69 = tpu.vector_load %arg5[%swap3A_67, %swap3A_68] {strides = array<i32>} : memref<4x512xf32, #tpu.memory_space<vmem>>, vector<16xf32>,
      tpu.vector_store %arg5[%swap3A_67, %swap3A_68], %scan3A_57#1 {strides = array<i32>} : memref<4x512xf32, #tpu.memory_space<vmem>>, vector<16xf32>,
      %mul3A_70 = arith.constant 16 : i32
      %mul3A_71 = arith.muli %scan3A_24, %mul3A_70 : i32
      %swap3A_72 = arith.constant 2 : i32
      %swap3A_73 = arith.index_cast %swap3A_72 : i32 to index
      %swap3A_74 = arith.index_cast %mul3A_71 : i32 to index
      %swap3A_75 = tpu.vector_load %arg5[%swap3A_73, %swap3A_74] {strides = array<i32>} : memref<4x512xf32, #tpu.memory_space<vmem>>, vector<16xf32>,
      tpu.vector_store %arg5[%swap3A_73, %swap3A_74], %scan3A_57#2 {strides = array<i32>} : memref<4x512xf32, #tpu.memory_space<vmem>>, vector<16xf32>,
      %mul3A_76 = arith.constant 16 : i32
      %mul3A_77 = arith.muli %scan3A_24, %mul3A_76 : i32
      %swap3A_78 = arith.constant 3 : i32
      %swap3A_79 = arith.index_cast %swap3A_78 : i32 to index
      %swap3A_80 = arith.index_cast %mul3A_77 : i32 to index
      %swap3A_81 = tpu.vector_load %arg5[%swap3A_79, %swap3A_80] {strides = array<i32>} : memref<4x512xf32, #tpu.memory_space<vmem>>, vector<16xf32>,
      tpu.vector_store %arg5[%swap3A_79, %swap3A_80], %scan3A_57#3 {strides = array<i32>} : memref<4x512xf32, #tpu.memory_space<vmem>>, vector<16xf32>,
      %scan3A_82 = arith.constant 0 : i32
      scf.yield %scan3A_82 : i32
    }
    %scan3A_23 = arith.constant 32 : i32
    "tpu.region"() ({
      %run_scoped3A = tpu.sem_alloc : memref<!tpu.dma_semaphore, #tpu.memory_space<semaphore_mem>>
      %dma_start3A_24 = arith.constant 0 : i32
      %dma_start3A_25 = tpu.memref_slice %arg3[%dma_start3A_24, %mul3A_2] : memref<4x16384xf32, #tpu.memory_space<hbm>> -> memref<4x512xf32, #tpu.memory_space<hbm>>
      %dma_start3A_26 = arith.constant 0 : i32
      %dma_start3A_27 = tpu.memref_slice %arg3[%dma_start3A_26, %mul3A_2] : memref<4x16384xf32, #tpu.memory_space<hbm>> -> memref<4x512xf32, #tpu.memory_space<hbm>>
      tpu.enqueue_dma source(%arg5 : memref<4x512xf32, #tpu.memory_space<vmem>>) target(%dma_start3A_27 : memref<4x512xf32, #tpu.memory_space<hbm>>) target_semaphore(%run_scoped3A : memref<!tpu.dma_semaphore, #tpu.memory_space<semaphore_mem>>)
      %dma_wait3A = arith.constant 0 : i32
      %dma_wait3A_28 = tpu.memref_slice %arg3[%dma_wait3A, %mul3A_2] : memref<4x16384xf32, #tpu.memory_space<hbm>> -> memref<4x512xf32, #tpu.memory_space<hbm>>
      %dma_wait3A_29 = arith.constant 0 : i32
      %dma_wait3A_30 = tpu.memref_slice %arg3[%dma_wait3A_29, %mul3A_2] : memref<4x16384xf32, #tpu.memory_space<hbm>> -> memref<4x512xf32, #tpu.memory_space<hbm>>
      tpu.wait_dma2 semaphore(%run_scoped3A : memref<!tpu.dma_semaphore, #tpu.memory_space<semaphore_mem>>) src(%arg5 : memref<4x512xf32, #tpu.memory_space<vmem>>) dst(%dma_wait3A_30 : memref<4x512xf32, #tpu.memory_space<hbm>>)
      tpu.yield
    }) : () -> ()
    return
  }
}

module attributes {stable_mosaic.version = 14 : i64} {
  func.func @_mm_body(%arg0: i32, %arg1: memref<1024x2048xf32, #tpu.memory_space<vmem>>, %arg2: memref<2048x4xf32, #tpu.memory_space<vmem>>, %arg3: memref<1024x4xf32, #tpu.memory_space<vmem>>, %arg4: memref<1024x4xf32, #tpu.memory_space<vmem>>) attributes {dimension_semantics = [#tpu.dimension_semantics<arbitrary>], iteration_bounds = array<i64: 16>, scalar_prefetch = 0 : i64, scratch_operands = 0 : i64, tpu.core_type = #tpu.core_type<tc>, window_params = [{transform_indices = @transform_0, window_bounds = array<i64: 1024, 2048>}, {pipeline_mode = #tpu.pipeline_mode<synchronous>, transform_indices = @transform_1, window_bounds = array<i64: 2048, 4>}, {transform_indices = @transform_2, window_bounds = array<i64: 1024, 4>}, {transform_indices = @transform_3, window_bounds = array<i64: 1024, 4>}]} {
    %get3A = arith.constant 0 : index
    %get3A_0 = arith.constant 0 : index
    %get3A_1 = vector.load %arg1[%get3A, %get3A_0] : memref<1024x2048xf32, #tpu.memory_space<vmem>>, vector<1024x2048xf32>
    %convert_element_type3A = arith.truncf %get3A_1 : vector<1024x2048xf32> to vector<1024x2048xbf16>
    %get3A_2 = arith.constant 0 : index
    %get3A_3 = arith.constant 0 : index
    %get3A_4 = vector.load %arg2[%get3A_2, %get3A_3] : memref<2048x4xf32, #tpu.memory_space<vmem>>, vector<2048x4xf32>
    %convert_element_type3A_5 = arith.truncf %get3A_4 : vector<2048x4xf32> to vector<2048x4xbf16>
    %dot_general3A = arith.constant dense<0.000000e+00> : vector<1024x4xf32>
    %dot_general3A_6 = tpu.matmul %convert_element_type3A, %convert_element_type3A_5, %dot_general3A {dimension_numbers = #tpu.dot_dimension_numbers<[1], [0], [0], [1], [0, 0, 1, 1], [], []>, transpose_lhs_hint = false} : vector<1024x2048xbf16>, vector<2048x4xbf16>, vector<1024x4xf32> -> vector<1024x4xf32>
    %get3A_7 = arith.constant 0 : index
    %get3A_8 = arith.constant 0 : index
    %get3A_9 = vector.load %arg3[%get3A_7, %get3A_8] : memref<1024x4xf32, #tpu.memory_space<vmem>>, vector<1024x4xf32>
    %add3A = arith.addf %dot_general3A_6, %get3A_9 : vector<1024x4xf32>
    %swap3A = arith.constant 0 : index
    %swap3A_10 = arith.constant 0 : index
    %swap3A_11 = vector.load %arg4[%swap3A, %swap3A_10] : memref<1024x4xf32, #tpu.memory_space<vmem>>, vector<1024x4xf32>
    tpu.vector_store %arg4[%swap3A, %swap3A_10], %add3A {strides = array<i32>} : memref<1024x4xf32, #tpu.memory_space<vmem>>, vector<1024x4xf32>,
    return
  }
  func.func @transform_0(%arg0: i32) -> (i32, i32) {
    %c0_i32 = arith.constant 0 : i32
    %c0_i32_0 = arith.constant 0 : i32
    return %arg0, %c0_i32 : i32, i32
  }
  func.func @transform_1(%arg0: i32) -> (i32, i32) {
    %c0_i32 = arith.constant 0 : i32
    %c0_i32_0 = arith.constant 0 : i32
    %c0_i32_1 = arith.constant 0 : i32
    return %c0_i32, %c0_i32_0 : i32, i32
  }
  func.func @transform_2(%arg0: i32) -> (i32, i32) {
    %c0_i32 = arith.constant 0 : i32
    %c0_i32_0 = arith.constant 0 : i32
    return %arg0, %c0_i32 : i32, i32
  }
  func.func @transform_3(%arg0: i32) -> (i32, i32) {
    %c0_i32 = arith.constant 0 : i32
    %c0_i32_0 = arith.constant 0 : i32
    return %arg0, %c0_i32 : i32, i32
  }
}

module attributes {stable_mosaic.version = 14 : i64} {
  func.func @_comb_body(%arg0: i32, %arg1: memref<2048x4xf32, #tpu.memory_space<vmem>>, %arg2: memref<4x2048xf32, #tpu.memory_space<vmem>>, %arg3: memref<2048xf32, #tpu.memory_space<vmem>>) attributes {dimension_semantics = [#tpu.dimension_semantics<arbitrary>], iteration_bounds = array<i64: 8>, scalar_prefetch = 0 : i64, scratch_operands = 0 : i64, tpu.core_type = #tpu.core_type<tc>, window_params = [{transform_indices = @transform_0, window_bounds = array<i64: 2048, 4>}, {transform_indices = @transform_1, window_bounds = array<i64: 4, 2048>}, {transform_indices = @transform_2, window_bounds = array<i64: 2048>}]} {
    %get3A = arith.constant 0 : index
    %get3A_0 = arith.constant 0 : index
    %get3A_1 = vector.load %arg1[%get3A, %get3A_0] : memref<2048x4xf32, #tpu.memory_space<vmem>>, vector<2048x1xf32>
    %get3A_2 = vector.shape_cast %get3A_1 : vector<2048x1xf32> to vector<2048xf32>
    %get3A_3 = arith.constant 0 : index
    %get3A_4 = arith.constant 1 : index
    %get3A_5 = vector.load %arg1[%get3A_3, %get3A_4] : memref<2048x4xf32, #tpu.memory_space<vmem>>, vector<2048x1xf32>
    %get3A_6 = vector.shape_cast %get3A_5 : vector<2048x1xf32> to vector<2048xf32>
    %get3A_7 = arith.constant 0 : index
    %get3A_8 = arith.constant 2 : index
    %get3A_9 = vector.load %arg1[%get3A_7, %get3A_8] : memref<2048x4xf32, #tpu.memory_space<vmem>>, vector<2048x1xf32>
    %get3A_10 = vector.shape_cast %get3A_9 : vector<2048x1xf32> to vector<2048xf32>
    %get3A_11 = arith.constant 0 : index
    %get3A_12 = arith.constant 3 : index
    %get3A_13 = vector.load %arg1[%get3A_11, %get3A_12] : memref<2048x4xf32, #tpu.memory_space<vmem>>, vector<2048x1xf32>
    %get3A_14 = vector.shape_cast %get3A_13 : vector<2048x1xf32> to vector<2048xf32>
    %broadcast_in_dim3A = arith.constant 0 : i32
    %broadcast_in_dim3A_15 = vector.broadcast %broadcast_in_dim3A : i32 to vector<2048xi32>
    %gt3A = arith.cmpf ogt, %get3A_6, %get3A_2 : vector<2048xf32>
    %select_n3A = arith.select %gt3A, %get3A_6, %get3A_2 : vector<2048xi1>, vector<2048xf32>
    %jit3A = arith.constant 1 : i32
    %broadcast_in_dim3A_16 = vector.broadcast %jit3A : i32 to vector<2048xi32>
    %select_n3A_17 = arith.select %gt3A, %broadcast_in_dim3A_16, %broadcast_in_dim3A_15 : vector<2048xi1>, vector<2048xi32>
    %gt3A_18 = arith.cmpf ogt, %get3A_10, %select_n3A : vector<2048xf32>
    %select_n3A_19 = arith.select %gt3A_18, %get3A_10, %select_n3A : vector<2048xi1>, vector<2048xf32>
    %jit3A_20 = arith.constant 2 : i32
    %broadcast_in_dim3A_21 = vector.broadcast %jit3A_20 : i32 to vector<2048xi32>
    %select_n3A_22 = arith.select %gt3A_18, %broadcast_in_dim3A_21, %select_n3A_17 : vector<2048xi1>, vector<2048xi32>
    %gt3A_23 = arith.cmpf ogt, %get3A_14, %select_n3A_19 : vector<2048xf32>
    %jit3A_24 = arith.constant 3 : i32
    %broadcast_in_dim3A_25 = vector.broadcast %jit3A_24 : i32 to vector<2048xi32>
    %select_n3A_26 = arith.select %gt3A_23, %broadcast_in_dim3A_25, %select_n3A_22 : vector<2048xi1>, vector<2048xi32>
    %eq3A = arith.constant 0 : i32
    %eq3A_27 = vector.broadcast %eq3A : i32 to vector<2048xi32>
    %eq3A_28 = arith.cmpi eq, %select_n3A_26, %eq3A_27 : vector<2048xi32>
    %get3A_29 = arith.constant 0 : index
    %get3A_30 = arith.constant 0 : index
    %get3A_31 = vector.load %arg2[%get3A_29, %get3A_30] : memref<4x2048xf32, #tpu.memory_space<vmem>>, vector<1x2048xf32>
    %get3A_32 = vector.shape_cast %get3A_31 : vector<1x2048xf32> to vector<2048xf32>
    %eq3A_33 = arith.constant 1 : i32
    %eq3A_34 = vector.broadcast %eq3A_33 : i32 to vector<2048xi32>
    %eq3A_35 = arith.cmpi eq, %select_n3A_26, %eq3A_34 : vector<2048xi32>
    %get3A_36 = arith.constant 1 : index
    %get3A_37 = arith.constant 0 : index
    %get3A_38 = vector.load %arg2[%get3A_36, %get3A_37] : memref<4x2048xf32, #tpu.memory_space<vmem>>, vector<1x2048xf32>
    %get3A_39 = vector.shape_cast %get3A_38 : vector<1x2048xf32> to vector<2048xf32>
    %eq3A_40 = arith.constant 2 : i32
    %eq3A_41 = vector.broadcast %eq3A_40 : i32 to vector<2048xi32>
    %eq3A_42 = arith.cmpi eq, %select_n3A_26, %eq3A_41 : vector<2048xi32>
    %get3A_43 = arith.constant 2 : index
    %get3A_44 = arith.constant 0 : index
    %get3A_45 = vector.load %arg2[%get3A_43, %get3A_44] : memref<4x2048xf32, #tpu.memory_space<vmem>>, vector<1x2048xf32>
    %get3A_46 = vector.shape_cast %get3A_45 : vector<1x2048xf32> to vector<2048xf32>
    %get3A_47 = arith.constant 3 : index
    %get3A_48 = arith.constant 0 : index
    %get3A_49 = vector.load %arg2[%get3A_47, %get3A_48] : memref<4x2048xf32, #tpu.memory_space<vmem>>, vector<1x2048xf32>
    %get3A_50 = vector.shape_cast %get3A_49 : vector<1x2048xf32> to vector<2048xf32>
    %select_n3A_51 = arith.select %eq3A_42, %get3A_46, %get3A_50 : vector<2048xi1>, vector<2048xf32>
    %select_n3A_52 = arith.select %eq3A_35, %get3A_39, %select_n3A_51 : vector<2048xi1>, vector<2048xf32>
    %select_n3A_53 = arith.select %eq3A_28, %get3A_32, %select_n3A_52 : vector<2048xi1>, vector<2048xf32>
    %swap3A = arith.constant 0 : index
    %swap3A_54 = vector.load %arg3[%swap3A] : memref<2048xf32, #tpu.memory_space<vmem>>, vector<2048xf32>
    tpu.vector_store %arg3[%swap3A], %select_n3A_53 {strides = array<i32>} : memref<2048xf32, #tpu.memory_space<vmem>>, vector<2048xf32>,
    return
  }
  func.func @transform_0(%arg0: i32) -> (i32, i32) {
    %c0_i32 = arith.constant 0 : i32
    %c0_i32_0 = arith.constant 0 : i32
    return %arg0, %c0_i32 : i32, i32
  }
  func.func @transform_1(%arg0: i32) -> (i32, i32) {
    %c0_i32 = arith.constant 0 : i32
    %c0_i32_0 = arith.constant 0 : i32
    return %c0_i32, %arg0 : i32, i32
  }
  func.func @transform_2(%arg0: i32) -> i32 {
    %c0_i32 = arith.constant 0 : i32
    return %arg0 : i32
  }
}

</mosaic_0001>

<sc_bundles>
// kernel: kernel.5.cloned.1.call-start
scs
__scs_entry_jumppad:
0x0: {  	(pc) =	sbr.rel $0x88, $3  }
0x1: {  	(tag) =	ssettag $0x0;
	lr =	simm.s32 $0x1  }
0x2: {  	[smem:$0x3F9D] =	sst lr;
	_ =	strace $0xD0000000  }
0x3: {  	_ = 	snop  }
0x4: {  	_ = 	snop  }
0x5: {  	_ = 	snop  }
0x6: {  	_ = 	snop  }
0x7: {  	_ = 	snop  }
__scs_overlays_trampoline_lowered:
0x8: {  	[smem:$0x3FAC] =	sst s0  }
0x9: {  	[smem:$0x3FAD] =	sst s1  }
0xa: {  	[smem:$0x3FAE] =	sst s2  }
0xb: {  	[smem:$0x3FAF] =	sst s3  }
0xc: {  	[smem:$0x3FB0] =	sst s4  }
0xd: {  	[smem:$0x3FB1] =	sst s5  }
0xe: {  	[smem:$0x3FB2] =	sst s6  }
0xf: {  	[smem:$0x3FB3] =	sst s7  }
0x10: {  	[smem:$0x3FB4] =	sst s8  }
0x11: {  	[smem:$0x3FB5] =	sst s9;
	s0 =	simm.s32 @!p0 $0x0  }
0x12: {  	s1 =	sld [smem:$0x3F9B];
	s0 =	simm.s32 @p0 $0x1  }
0x13: {  	[smem:$0x3FB6] =	sst s0;
	s0 =	simm.s32 @!p1 $0x0  }
0x14: {  	s2 =	sld [smem:$0x3F9A];
	s0 =	simm.s32 @p1 $0x1  }
0x15: {  	[smem:$0x3FB7] =	sst s0;
	s0 =	simm.s32 @!p2 $0x0  }
0x16: {  	s3 =	sld [smem:$0x3FDB];
	s0 =	simm.s32 @p2 $0x1  }
0x17: {  	s4 =	simm.s32 $0x1BF5;
	[smem:$0x3FB9] =	sst s0  }
0x18: {  	s0 =	sld [smem:$0x3F9C];
	_ =	swait.ge [sflag:s4], $0x0  }
0x19: {  	s7 =	sld [smem:$0x3F9D]  }
0x1a: {  	s8 =	sadd.s32 $0xFFFFE003, lr  }
0x1b: {  	s9 =	sadd.s32 $0xFFFFFEF7, lr;
	s5 =	simm.s32 $0xFFFFFFFF;
	p2 =	slt.u32 s8, $0xFFFFF086  }
0x1c: {  	p1 =	slt.u32 s9, $0xF7A;
	s5 =	simm.s32 @!p2 $0x0  }
0x1d: {  	s5 =	simm.s32 @p1 $0x1;
	p0 =	seq.s32 s7, s2  }
0x1e: {  	s7 =	smul.u32 @!p0 $0xF7A, s2;
	p2 =	seq.s32 @!p0 s5, $0x0  }
0x1f: {  	s9 =	smul.u32 $0xF7A, s1;
	s8 =	simm.s32 @!p0 $0x1BF5;
	p2 =	por !p2, p0  }
0x20: {  	[sflag:s8] =	ssyncset.s32 @!p0 $0xFFFFF086;
	s6 =	sadd.s32 @!p0 s3, s7;
	s7 =	simm.s32 @!p0 $0x108  }
0x21: {  	s3 =	sadd.s32 s3, s9;
	s6 =	sadd.s32 @!p0 $0x88, s6;
	s7 =	simm.s32 @p2 $0x1082  }
0x22: {  	[simem:s7], [sflag:s8] =	dma.local @!p0 [hbm:s6], $0xF7A  }
0x23: {  	s9 =	sor.u32 $0xD0000000, s2;
	s6 =	simm.s32 $0x108;
	_ =	swait.ge @!p0 [sflag:s8], $0x0  }
0x24: {  	s3 =	sadd.s32 $0x88, s3;
	s6 =	simm.s32 @!p1 $0x1082;
	[sflag:s4] =	ssyncset.s32 $0xFFFFF086  }
0x25: {  	[simem:s6], [sflag:s4] =	dma.local [hbm:s3], $0xF7A  }
0x26: {  	[smem:$0x3F9D] =	sst s1;
	(tag) =	ssettag s2;
	_ =	strace s9  }
0x27: {  	s1 =	sld [smem:$0x3FAD]  }
0x28: {  	s2 =	sld [smem:$0x3FAE]  }
0x29: {  	s4 =	sld [smem:$0x3FB0]  }
0x2a: {  	p0 =	seq.s32 s5, $0x0;
	s5 =	sld [smem:$0x3FB1]  }
0x2b: {  	s6 =	sld [smem:$0x3FB2]  }
0x2c: {  	s7 =	sld [smem:$0x3FB3]  }
0x2d: {  	s3 =	simm.s32 $0x108;
	s8 =	sld [smem:$0x3FB4]  }
0x2e: {  	s3 =	simm.s32 @!p0 $0x1082;
	s9 =	sld [smem:$0x3FB5]  }
0x2f: {  	lr =	sadd.s32 s0, s3;
	s0 =	sld [smem:$0x3FAC]  }
0x30: {  	s3 =	sld [smem:$0x3FAF]  }
0x31: {  	[smem:$0x3FB8] =	sst s10  }
0x32: {  	s10 =	sld [smem:$0x3FB6];
	_ =	sdelay $0x3  }
0x33: {  	p0 =	seq.s32 s10, $0x1;
	s10 =	sld [smem:$0x3FB8];
	_ =	sdelay $0x3  }
0x34: {  	[smem:$0x3FB8] =	sst s10  }
0x35: {  	s10 =	sld [smem:$0x3FB7];
	_ =	sdelay $0x3  }
0x36: {  	p1 =	seq.s32 s10, $0x1;
	s10 =	sld [smem:$0x3FB8];
	_ =	sdelay $0x3  }
0x37: {  	[smem:$0x3FB8] =	sst s10  }
0x38: {  	s10 =	sld [smem:$0x3FB9]  }
0x39: {  	_ = 	snop;
	(pc) =	sbr.ind lr, $3  }
0x3a: {  	_ = 	snop  }
0x3b: {  	_ = 	snop  }
0x3c: {  	p2 =	seq.s32 s10, $0x1;
	s10 =	sld [smem:$0x3FB8]  }
0x3d: {  	_ =	shalt  }
0x3e: {  	_ =	shalt  }
0x3f: {  	_ =	shalt  }
0x40: {  	_ =	shalt  }
0x41: {  	_ =	shalt  }
0x42: {  	_ =	shalt  }
0x43: {  	_ =	shalt  }
0x44: {  	_ =	shalt  }
0x45: {  	_ =	shalt  }
0x46: {  	_ =	shalt  }
0x47: {  	_ =	shalt  }
0x48: {  	_ =	shalt  }
0x49: {  	_ =	shalt  }
0x4a: {  	_ =	shalt  }
0x4b: {  	_ =	shalt  }
0x4c: {  	_ =	shalt  }
0x4d: {  	_ =	shalt  }
0x4e: {  	_ =	shalt  }
0x4f: {  	_ =	shalt  }
0x50: {  	_ =	shalt  }
0x51: {  	_ =	shalt  }
0x52: {  	_ =	shalt  }
0x53: {  	_ =	shalt  }
0x54: {  	_ =	shalt  }
0x55: {  	_ =	shalt  }
0x56: {  	_ =	shalt  }
0x57: {  	_ =	shalt  }
0x58: {  	_ =	shalt  }
0x59: {  	_ =	shalt  }
0x5a: {  	_ =	shalt  }
0x5b: {  	_ =	shalt  }
0x5c: {  	_ =	shalt  }
0x5d: {  	_ =	shalt  }
0x5e: {  	_ =	shalt  }
0x5f: {  	_ =	shalt  }
0x60: {  	_ =	shalt  }
0x61: {  	_ =	shalt  }
0x62: {  	_ =	shalt  }
0x63: {  	_ =	shalt  }
0x64: {  	_ =	shalt  }
0x65: {  	_ =	shalt  }
0x66: {  	_ =	shalt  }
0x67: {  	_ =	shalt  }
0x68: {  	_ =	shalt  }
0x69: {  	_ =	shalt  }
0x6a: {  	_ =	shalt  }
0x6b: {  	_ =	shalt  }
0x6c: {  	_ =	shalt  }
0x6d: {  	_ =	shalt  }
0x6e: {  	_ =	shalt  }
0x6f: {  	_ =	shalt  }
0x70: {  	_ =	shalt  }
0x71: {  	_ =	shalt  }
0x72: {  	_ =	shalt  }
0x73: {  	_ =	shalt  }
0x74: {  	_ =	shalt  }
0x75: {  	_ =	shalt  }
0x76: {  	_ =	shalt  }
0x77: {  	_ =	shalt  }
0x78: {  	_ =	shalt  }
0x79: {  	_ =	shalt  }
0x7a: {  	_ =	shalt  }
0x7b: {  	_ =	shalt  }
0x7c: {  	_ =	shalt  }
0x7d: {  	_ =	shalt  }
0x7e: {  	_ =	shalt  }
0x7f: {  	_ =	shalt  }
0x80: {  	_ =	shalt  }
0x81: {  	_ =	shalt  }
0x82: {  	_ =	shalt  }
0x83: {  	_ =	shalt  }
0x84: {  	_ =	shalt  }
0x85: {  	_ =	shalt  }
0x86: {  	_ =	shalt  }
0x87: {  	_ =	shalt  }
.Lfunc_end0:
.L_simem_size_0:
called_computation_lowered:
.L_overlay_start_0:
0x88: {  	s2 =	sld [smem:$0x3FD9]  }
0x89: {  	s3 =	sld [smem:$0x3FFE];
	_ =	sdelay $0x1  }
0x8a: {  	s1 =	srdreg.scid  }
0x8b: {  	s0 =	sand.u32 $0x1, s1  }
0x8c: {  	s17 =	sshll.u32 s0, $0xA;
	s2 =	sadd.s32 s3, s2  }
0x8d: {  	s2 =	sadd.s32 s2, s17  }
0x8e: {  	[smem:$0x3FC4] =	sst s2  }
0x8f: {  	_ = 	snop  }
0x90: {  	s2 =	sld [smem:$0x3FC9];
	(tm) =	ssettm $0x1  }
0x91: {  	s18 =	sld [smem:$0x3FFB];
	_ =	sdelay $0x3  }
0x92: {  	_ =	strace s18  }
0x93: {  	s3 =	sld [smem:$0x3FFC];
	_ =	sdelay $0x3  }
0x94: {  	_ =	strace s3  }
0x95: {  	s3 =	sld [smem:$0x3FFD];
	_ =	sdelay $0x3  }
0x96: {  	_ =	strace s3  }
0x97: {  	_ =	strace $0x8FFFFFFF  }
0x98: {  	s19 =	sld [smem:$0x3FDB];
	_ =	sdelay $0x1  }
0x99: {  	s4 =	simm.s32 $_scs_section_size  }
0x9a: {  	s5 =	simm.s32 $_size__tile_overlayer_lowered;
	s6 =	simm.s32 $_tile_overlayer_lowered  }
0x9b: {  	s22 =	simm.s32 $0x1BFF;
	s21 =	sshll.u32 s6, $0x1;
	s3 =	sadd.s32 s4, s19  }
0x9c: {  	s7 =	simm.s32 $0x0;
	s20 =	sshll.u32 s5, $0x1;
	s5 =	sadd.s32 s21, s3  }
0x9d: {  	[timem:s7], [sflag:s22] =	dma.local [hbm:s5], s20  }
0x9e: {  	_ =	swait.ge [sflag:s22], s20  }
0x9f: {  	s4 =	ssub.s32 $0x0, s20;
	[sflag:s22] =	ssyncset.done $0x0  }
0xa0: {  	[sflag:s22] =	ssyncadd.s32 s4;
	_ =	sdelay $0x1  }
0xa1: {  	s23 =	simm.s32 $0x1B8B  }
0xa2: {  	_ =	swait.ge [sflag:s23], $0x1  }
0xa3: {  	[sflag:s23] =	ssyncset.done $0x0  }
0xa4: {  	s25 =	simm.s32 $0x1B8E;
	s24 =	sld [smem:$0x3FFE];
	[sflag:s23] =	ssyncadd.s32 $0xFFFFFFFF  }
0xa5: {  	s26 =	simm.s32 $execute0_lowered;
	[smem:$0x3FD2] =	sst s25  }
0xa6: {  	s5 =	sshll.u32 s26, $0x1;
	_ =	strace $0x80000046;
	[dreg:$0x1] =	wrdreg $0xFFFFFFFF  }
0xa7: {  	s28 =	simm.s32 $_size_execute0_lowered;
	s3 =	sadd.s32 s3, s5;
	[dreg:$0x0] =	wrdreg $0x0  }
0xa8: {  	s5 =	sshll.u32 s28, $0x1;
	[dreg:$0x2] =	wrdreg s3  }
0xa9: {  	[dreg:$0x3] =	wrdreg s5  }
0xaa: {  	[dreg:$0x4] =	wrdreg $0xC0  }
0xab: {  	_ =	task [dreg:s7], $0x5FFFF  }
0xac: {  	[dreg:$0x1] =	wrdreg $0xFFFFFFFF  }
0xad: {  	[dreg:$0x0] =	wrdreg $0x60  }
0xae: {  	[dreg:$0x2] =	wrdreg s2  }
0xaf: {  	[dreg:$0x3] =	wrdreg s24  }
0xb0: {  	[dreg:$0x4] =	wrdreg $0x9  }
0xb1: {  	_ =	task.clear_ibuf [dreg:s7], $0x5FFFF;
	_ =	strace $0x90000046  }
0xb2: {  	s29 =	simm.s32 $0x9;
	_ =	strace $0x80000048  }
0xb3: {  	_ =	swait.ge [sflag:s29], $0x1  }
0xb4: {  	[sflag:s29] =	ssyncadd.s32 $0xFFFFFFFF  }
0xb5: {  	_ =	strace $0x90000048  }
0xb6: {  	_ =	sfence  }
0xb7: {  	s30 =	sld [smem:$0x0];
	_ =	sdelay $0x2  }
0xb8: {  	s31 =	sshll.u32 s1, $0xD;
	s1 =	sshrl.u32 s1, $0x2  }
0xb9: {  	s3 =	sand.u32 $0x4000, s31;
	s1 =	sadd.s32 s1, s30  }
0xba: {  	s0 =	sor.u32 s3, s0;
	s1 =	sshll.u32 s1, $0x11  }
0xbb: {  	s0 =	sor.u32 s1, s0  }
0xbc: {  	s0 =	sadd.s32 $0x8F2B, s0  }
0xbd: {  	[sflag:s0] =	ssyncadd.remote.s32 $0x1  }
0xbe: {  	_ =	sfence.sel $0xFFFF  }
0xbf: {  	[dreg:$0x0] =	wrdreg $0xFFFFFFFF;
	(pc) =	sbr.abs _section_cstart, $3  }
0xc0: {  	[dreg:$0x1] =	wrdreg $0xFFFFFFFF  }
0xc1: {  	_ =	task.clear_ibuf [dreg:s7], $0x2FFFF;
	_ =	strace $0x9FFFFFFF  }
0xc2: {  	(tm) =	ssettm $0x7FFFFFFF  }
0xc3: {  	_ =	shalt  }
tec
execute0_lowered:
.L_overlay_start_1:
0x0: {  	(tag) =	ssettag $0x1  }
0x1: {  	s3 =	rddreg [dreg:$0x0]  }
0x2: {  	s4 =	rddreg [dreg:$0x1];
	s5 =	srdreg.scid  }
0x3: {  	s2 =	simm.s32 $0x0;
	s0 =	stileid.u32;
	v0 =	vimm.s32 $0xEDCBA987;
	s5 =	sand.u32 $0x1, s5  }
0x4: {  	v1 =	vimm.s32 $0x65432100;
	s9 =	simm.s32 $0x0;
	s6 =	sshll.u32 s0, $0xA;
	v0 =	vunpack.c.l.s4.s8 v0;
	s7 =	sshll.u32 s5, $0x9  }
0x5: {  	[smem:$0x7FF] =	sst s2;
	v1 =	vunpack.c.l.s4.s8 v1;
	s5 =	ssub.s32 $0x2, s5;
	s6 =	sor.u32 s7, s6  }
0x6: {  	_ =	strace $0x80000047;
	s8 =	sshrl.u32 s5, $0x1;
	v0 =	vunpack.c.0.s8.s32 v0;
	s7 =	sshrl.u32 s6, $0x1  }
0x7: {  	v1 =	vunpack.c.0.s8.s32 v1;
	s6 =	sshll.u32 s6, $0x8;
	s5 =	ssub.s32 s5, s8;
	s4 =	sadd.s32 s7, s4  }
0x8: {  	s8 =	simm.s32 $0x2;
	s3 =	sadd.s32 s3, s6;
	v0 =	vand.u32 $0xF, v0;
	s31 =	sadd.s32 $0xC00, s4  }
0x9: {  	s5 =	smax.u32 s5, $0x1;
	s6 =	simm.s32 $0x1;
	v0 =	vcombine.low v1, v0;
	v1 =	vlaneseq.u32;
	[dreg:$0x3] =	wrdreg s31  }
.LBB2_1:
0xa: {  	[tilespmem:s2], [sflag:$0x1] =	stream.linear.gather [hbm4b:s3+s2], $0x8000, $0x38;
	[tilespmem:$0x10800] =	vst v63  }
0xb: {  	s11 =	simm.s32 $0x0  }
.LBB2_2:
0xc: {  	_ =	swait.ge [sflag:s6], $0x8000  }
0xd: {  	s10 =	sadd.s32 $0x1, s11;
	p0 =	seq.s32 s11, $0x1F;
	[sflag:s6] =	ssyncset.done $0x0  }
0xe: {  	s12 =	sshll.u32 @!p0 s10, $0xC;
	s13 =	sshll.u32 @!p0 s10, $0xF;
	s14 =	simm.s32 @!p0 $0x0  }
0xf: {  	[sflag:s6] =	ssyncadd.s32 $0xFFFF8000;
	s13 =	sand.u32 @!p0 $0x8000, s13;
	s12 =	sadd.s32 @!p0 s12, s3  }
0x10: {  	[tilespmem:s13], [sflag:$0x1] =	stream.linear.gather @!p0 [hbm4b:s12+s14], $0x8000, $0x38;
	[tilespmem:$0x10800] =	vst v63  }
0x11: {  	v2 =	vimm.f32 $0.0e+00;
	s12 =	sshll.u32 s11, $0x4  }
0x12: {  	v3 =	vimm.f32 $0.0e+00;
	v4 =	vimm.f32 $0.0e+00;
	v5 =	vimm.f32 $0.0e+00;
	s14 =	simm.s32 $0x0;
	s13 =	sand.u32 $0x10, s12  }
.LBB2_3:
0x13: {  	s16 =	sor.u32 s13, s14;
	s18 =	sshll.u32 s14, $0x7;
	s4 =	simm.s32 $0x40  }
0x14: {  	s20 =	simm.s32 $0x200;
	s21 =	simm.s32 $0x30;
	s22 =	simm.s32 $0x2F;
	v6 =	vmov s16  }
0x15: {  	s23 =	simm.s32 $0x3F;
	s24 =	simm.s32 $0x20;
	s25 =	simm.s32 $0x180;
	v7 =	vshll.u32 v6, $0xB;
	v6 =	vshll.u32 v6, $0x7  }
0x16: {  	s26 =	simm.s32 $0x1F8;
	s28 =	simm.s32 $0x10;
	s29 =	simm.s32 $0xF;
	v7 =	vand.u32 $0xC000, v7;
	v6 =	vand.u32 $0x380, v6  }
0x17: {  	s30 =	simm.s32 $0x178;
	s31 =	simm.s32 $0x80;
	s0 =	simm.s32 $0x78;
	v6 =	vor.u32 v7, v6  }
0x18: {  	s1 =	simm.s32 $0x100;
	s15 =	sshll.u32 s16, $0xB;
	s16 =	sand.u32 $0x380, s18;
	v7 =	vor.u32 v0, v6  }
0x19: {  	s18 =	sand.u32 $0x70, s4;
	s20 =	sand.u32 $0x7C00, s20;
	s21 =	sand.u32 $0x70, s21;
	v6 =	vmov s16  }
0x1a: {  	s23 =	sand.u32 $0x7F, s23;
	s24 =	sand.u32 $0x70, s24;
	s17 =	sand.u32 $0xC000, s15  }
0x1b: {  	s22 =	sand.u32 $0x7F, s22;
	s7 =	sand.u32 $0x7C00, s26;
	s19 =	sor.u32 s16, s17  }
0x1c: {  	s26 =	sand.u32 $0x70, s28;
	s25 =	sand.u32 $0x7C00, s25;
	s20 =	sadd.s32 s20, s17;
	v13 =	vld [tilespmem:s19+$0x0]  }
0x1d: {  	s4 =	sand.u32 $0x7C00, s30;
	s18 =	sadd.s32 s18, s20;
	s19 =	sadd.s32 s7, s17;
	v8 =	vld.idx.msk [tilespmem:v7+s2+$0x0], $0xffff  }
0x1e: {  	s1 =	sand.u32 $0x7C00, s1;
	s25 =	sadd.s32 s25, s17;
	s23 =	sadd.s32 s23, s19;
	v12 =	vld.idx.msk [tilespmem:v6+s18+$0x0 ss:$0x1], $0xffff  }
0x1f: {  	s28 =	sadd.s32 s4, s17;
	s1 =	sadd.s32 s1, s17;
	s25 =	sadd.s32 s21, s25;
	v10 =	vld.idx.msk [tilespmem:v6+s23+$0x0 ss:$0x1], $0xffff  }
0x20: {  	s7 =	sand.u32 $0x7F, s29;
	s29 =	sand.u32 $0x3C00, s31;
	s30 =	sadd.s32 s22, s28;
	v7 =	vld.idx.msk [tilespmem:v6+s25+$0x0 ss:$0x1], $0xffff  }
0x21: {  	s0 =	sand.u32 $0x7FFFFC00, s0;
	s1 =	sadd.s32 s24, s1;
	s31 =	sadd.s32 s29, s17;
	v14 =	vld.idx.msk [tilespmem:v6+s30+$0x0 ss:$0x1], $0xffff  }
0x22: {  	s0 =	sadd.s32 s0, s17;
	s20 =	simm.s32 $0x80;
	s21 =	sadd.s32 s26, s31;
	vm0 =	veq.s32 v13, $0x0;
	v11 =	vld.idx.msk [tilespmem:v6+s1+$0x0 ss:$0x1], $0xffff;
	vm1 =	vne.s32 v13, v8  }
0x23: {  	s22 =	sadd.s32 s7, s0;
	s19 =	simm.s32 $0x400;
	s18 =	simm.s32 $0x1;
	v9 =	vmpcnt.ones.xlane vm0;
	v15 =	vld.idx.msk [tilespmem:v6+s21+$0x0 ss:$0x1], $0xffff;
	v8 =	vmpcnt.ones.xlane vm1  }
.LBB2_4:
0x24: {  	s0 =	sand.u32 $0x70, s20;
	s1 =	sand.u32 $0x7C00, s19  }
0x25: {  	v16 =	vld.idx.msk [tilespmem:v6+s22+$0x0 ss:$0x1], $0xffff;
	v17 =	vmov v12;
	s22 =	sadd.s32 $0xFFFFFFF0, s20;
	s23 =	sadd.s32 $0xFFFFFFEF, s20;
	s24 =	sadd.s32 $0xFFFFFFFF, s20  }
0x26: {  	s25 =	sadd.s32 $0xFFFFFFE0, s20;
	s26 =	sadd.s32 $0xFFFFFF80, s19;
	s28 =	sadd.s32 $0xFFFFFFF8, s19  }
0x27: {  	s29 =	sadd.s32 $0xFFFFFFCF, s20;
	s30 =	sadd.s32 $0xFFFFFF78, s19;
	s31 =	sadd.s32 $0xFFFFFE80, s19;
	v12 =	vld.idx.msk [tilespmem:v6+s21+$0xF ss:$0x1], $0xffff  }
0x28: {  	s7 =	sadd.s32 $0xFFFFFE78, s19;
	s4 =	sadd.s32 $0xFFFFFF00, s19;
	vm0 =	veq.s32 v17, $0x0;
	s21 =	sadd.s32 $0xFFFFFFD0, s20  }
0x29: {  	s18 =	sadd.s32 $0x4, s18;
	s22 =	sand.u32 $0x70, s22;
	s1 =	sadd.s32 s1, s17;
	v18 =	vmpcnt.ones.xlane vm0  }
0x2a: {  	s24 =	sand.u32 $0x7F, s24;
	vm1 =	veq.s32 v7, $0x0;
	vm2 =	vne.s32 v10, v17;
	s25 =	sand.u32 $0x70, s25;
	s23 =	sand.u32 $0x7F, s23;
	vm0 =	vne.s32 v14, v7  }
0x2b: {  	s28 =	sand.u32 $0x7C00, s28;
	s26 =	sand.u32 $0x7C00, s26;
	s30 =	sand.u32 $0x7C00, s30;
	vm5 =	veq.s32 v11, $0x0;
	vm3 =	veq.s32 v15, $0x0;
	vm4 =	vne.s32 v16, v15  }
0x2c: {  	s29 =	sand.u32 $0x7F, s29;
	s4 =	sand.u32 $0x7C00, s4;
	s21 =	sand.u32 $0x70, s21;
	v10 =	vadd.f32 v15, v13;
	v13 =	vmpcnt.ones.xlane vm1;
	v15 =	vmpcnt.ones.xlane vm2  }
0x2d: {  	s0 =	sadd.s32 s0, s1;
	s1 =	sadd.s32 s28, s17;
	s26 =	sadd.s32 s26, s17;
	v14 =	vmpcnt.ones.xlane vm3;
	v16 =	vmpcnt.ones.xlane vm4;
	vm1 =	vne.s32 v12, v11  }
0x2e: {  	p0 =	slt.u32 s18, $0x79;
	s22 =	sadd.s32 s22, s26;
	v19 =	vmpcnt.ones.xlane vm5;
	v11 =	vadd.f32 v11, v10;
	v20 =	vmpcnt.ones.xlane vm1;
	v12 =	vld.idx.msk [tilespmem:v6+s0+$0x0 ss:$0x1], $0xffff;
	s0 =	sadd.s32 s24, s1  }
.Ltmp0:
0x2f: {  	v9 =	vadd.s32 v9, v14;
	v8 =	vadd.s32 v8, v16;
	v16 =	vmpcnt.ones.xlane vm0;
	s1 =	sand.u32 $0x3C00, s31;
	s24 =	sadd.s32 s30, s17;
	v10 =	vld.idx.msk [tilespmem:v6+s0+$0x0 ss:$0x1], $0xffff;
	(pc) =	sbr.rel @p0 .LBB2_4-.Ltmp0, $4  }
0x30: {  	s4 =	sadd.s32 s4, s17;
	v9 =	vadd.s32 v19, v9;
	v19 =	vadd.f32 v7, v11;
	s0 =	sand.u32 $0x7FFFFC00, s7;
	s7 =	sadd.s32 s23, s24;
	v8 =	vadd.s32 v20, v8;
	v7 =	vld.idx.msk [tilespmem:v6+s22+$0x0 ss:$0x1], $0xffff  }
0x31: {  	s4 =	sadd.s32 s25, s4;
	v9 =	vadd.s32 v13, v9;
	s1 =	sadd.s32 s1, s17;
	v8 =	vadd.s32 v16, v8;
	v14 =	vld.idx.msk [tilespmem:v6+s7+$0x0 ss:$0x1], $0xffff  }
0x32: {  	v9 =	vadd.s32 v18, v9;
	s21 =	sadd.s32 s21, s1;
	s0 =	sadd.s32 s0, s17;
	v13 =	vadd.f32 v17, v19;
	v8 =	vadd.s32 v15, v8;
	v11 =	vld.idx.msk [tilespmem:v6+s4+$0x0 ss:$0x1], $0xffff  }
0x33: {  	s19 =	sadd.s32 $0x200, s19;
	s20 =	sadd.s32 $0x40, s20;
	s22 =	sadd.s32 s29, s0;
	v15 =	vld.idx.msk [tilespmem:v6+s21+$0x0 ss:$0x1], $0xffff  }
0x34: {  	_ =	sdelay $0x3  }
0x35: {  	v13 =	vadd.f32 v15, v13  }
0x36: {  	s0 =	sor.u32 s16, s15  }
0x37: {  	s1 =	sor.u32 $0x3C50, s0;
	v13 =	vadd.f32 v11, v13  }
0x38: {  	v16 =	vld [tilespmem:s1+$0x0]  }
0x39: {  	s24 =	sor.u32 $0x3C60, s0;
	v13 =	vadd.f32 v7, v13  }
0x3a: {  	v17 =	vld [tilespmem:s24+$0x0]  }
0x3b: {  	s25 =	sor.u32 $0x3C70, s0;
	v13 =	vadd.f32 v12, v13  }
0x3c: {  	v18 =	vld [tilespmem:s25+$0x0]  }
0x3d: {  	v13 =	vadd.f32 v16, v13;
	_ =	sdelay $0x1  }
0x3e: {  	v13 =	vadd.f32 v17, v13;
	_ =	sdelay $0x1  }
0x3f: {  	v13 =	vadd.f32 v18, v13;
	_ =	sdelay $0x1  }
0x40: {  	(xrf2) =	vadd.scan.msk.f32 $0xffff, v13;
	_ =	sdelay $0x9  }
0x41: {  	v47 =	vld.idx.msk [tilespmem:v6+s22+$0x0 ss:$0x1], $0xffff;
	v48, _, _ =	vpop (xrf2)  }
0x42: {  	v6 =	vld.idx.msk [tilespmem:v6+s21+$0xF ss:$0x1], $0xffff;
	(v2sf) =	vpush v48, $0xF  }
0x43: {  	vm15 =	vne.s32 v10, v12;
	s26 =	sor.u32 $0x3C4F, s0  }
0x44: {  	vm2 =	veq.s32 v7, $0x0;
	s28 =	sor.u32 $0x3C5F, s0;
	v56 =	vmpcnt.ones.xlane vm15;
	v51 =	vld [tilespmem:s26+$0x0]  }
0x45: {  	s0 =	sor.u32 $0x3C6F, s0;
	vm0 =	vne.s32 v14, v7;
	v52 =	vmpcnt.ones.xlane vm2;
	v55 =	vld [tilespmem:s28+$0x0];
	vm5 =	veq.s32 v11, $0x0  }
0x46: {  	v57 =	vld [tilespmem:s0+$0x0];
	v54 =	vmpcnt.ones.xlane vm0;
	vm3 =	veq.s32 v15, $0x0;
	vm4 =	vne.s32 v47, v15  }
0x47: {  	v49 =	vmpcnt.ones.xlane vm3;
	vm8 =	vne.s32 v6, v11;
	v6 =	vmpcnt.ones.xlane vm5  }
0x48: {  	vm1 =	veq.s32 v12, $0x0;
	v50 =	vmpcnt.ones.xlane vm4;
	v53 =	vmpcnt.ones.xlane vm8  }
0x49: {  	v9 =	vadd.s32 v9, v49;
	vm9 =	veq.s32 v16, $0x0;
	vm10 =	vne.s32 v51, v16  }
0x4a: {  	vm11 =	veq.s32 v17, $0x0;
	vm12 =	vne.s32 v55, v17;
	vm13 =	veq.s32 v18, $0x0  }
0x4b: {  	vm14 =	vne.s32 v57, v18;
	v7 =	vmpcnt.ones.xlane vm1;
	v8 =	vadd.s32 v8, v50  }
0x4c: {  	v6 =	vadd.s32 v6, v9;
	v58 =	vmpcnt.ones.xlane vm9;
	v59 =	vmpcnt.ones.xlane vm10  }
0x4d: {  	v60 =	vmpcnt.ones.xlane vm11;
	v8 =	vadd.s32 v53, v8;
	v6 =	vadd.s32 v52, v6  }
0x4e: {  	v9 =	vmpcnt.ones.xlane vm12;
	v8 =	vadd.s32 v54, v8;
	v6 =	vadd.s32 v7, v6  }
0x4f: {  	v61 =	vmpcnt.ones.xlane vm13;
	v7 =	vadd.s32 v56, v8;
	v6 =	vadd.s32 v6, v58  }
0x50: {  	v62 =	vmpcnt.ones.xlane vm14;
	v7 =	vadd.s32 v7, v59;
	v6 =	vadd.s32 v60, v6  }
0x51: {  	v7 =	vadd.s32 v9, v7;
	v6 =	vadd.s32 v61, v6;
	s29 =	spop (v2sf)  }
0x52: {  	v7 =	vadd.s32 v62, v7;
	(v2sf) =	vpush v6, $0x0;
	s0 =	sadd.f32 $9.999999970e-07, s29  }
0x53: {  	(v2sf) =	vpush v7, $0x0  }
0x54: {  	v6 =	vmov s0  }
0x55: {  	(erf) = vrcp.f32 v6;
	_ =	sdelay $0x7  }
0x56: {  	v6 =	vbroadcast v18, $0xF  }
0x57: {  	v7 =	vpop (erf)  }
0x58: {  	v6 =	vmul.f32 v7, v6;
	v7 =	vmov s14;
	s14 =	sadd.s32 $0x1, s14  }
0x59: {  	p0 =	sne.s32 s14, $0x10  }
.Ltmp1:
0x5a: {  	s30 =	spop (v2sf);
	(pc) =	sbr.rel @p0 .LBB2_3-.Ltmp1, $4  }
0x5b: {  	v63 =	vbroadcast v48, $0xF;
	s0 =	ssub.s32 $0x800, s30;
	s31 =	spop (v2sf)  }
0x5c: {  	s0 =	scvt.s32.f32 s0;
	vm15 =	veq.s32 v7, v1;
	s1 =	scvt.s32.f32 s31;
	v6 =	vbroadcast v6, $0x0  }
0x5d: {  	v5 =	vsel vm15, v63, v5  }
0x5e: {  	v3 =	vsel vm15, s0, v3;
	v4 =	vsel vm15, v6, v4;
	v2 =	vsel vm15, s1, v2  }
0x5f: {  	s0 =	sshll.u32 s11, $0x6  }
0x60: {  	s1 =	sand.u32 $0x70, s12;
	p0 =	sne.s32 s10, $0x20;
	s0 =	sand.u32 $0x600, s0  }
.Ltmp2:
0x61: {  	s0 =	sor.u32 s1, s0;
	(pc) =	sbr.rel @p0 .LBB2_2-.Ltmp2, $4  }
0x62: {  	[tilespmem:s0+$0x10000] =	vst v5  }
0x63: {  	[tilespmem:s0+$0x10080] =	vst v4  }
0x64: {  	[tilespmem:s0+$0x10100] =	vst v3  }
0x65: {  	s11 =	smov.u32 s10;
	[tilespmem:s0+$0x10180] =	vst v2  }
0x66: {  	s9 =	sadd.s32 $0x1, s9  }
0x67: {  	p0 =	sne.s32 s9, s5  }
.Ltmp3:
0x68: {  	s0 =	rddreg [dreg:$0x3];
	s1 =	simm.s32 $0x10000;
	(pc) =	sbr.rel @p0 .LBB2_1-.Ltmp3, $4  }
0x69: {  	[hbm4b:s0+s2] =	stream.linear.scatter [tilespmem:s1], [sflag:$0x2], $0x800, $0x38;
	[tilespmem:$0x10800] =	vst v63  }
0x6a: {  	_ =	swait.ge [sflag:s8], $0x800  }
0x6b: {  	[sflag:s8] =	ssyncset.done $0x0  }
0x6c: {  	[sflag:s8] =	ssyncadd.s32 $0xFFFFF800  }
0x6d: {  	_ =	sfence.sel $0x180000  }
0x6e: {  	[bflag:$0x0] =	sbarrier.arrive $0xFFFF  }
0x6f: {  	_ =	strace $0x90000047  }
0x70: {  	s0 =	stileid.u32;
	[bflag:$0x2] =	sbarrier.arrive $0xFFFF  }
0x71: {  	p0 =	sne.s32 s0, $0x0;
	s0 =	rddreg [dreg:$0x2]  }
0x72: {  	s0 =	sadd.s32 @!p0 $0x100000, s0  }
0x73: {  	[sflag:s0] =	ssyncadd.tile.s32 @!p0 $0x1;
	_ =	shalt  }
.Lfunc_end2:
_tile_overlayer_lowered:
.L_overlay_start_2:
0x74: {  	(tag) =	ssettag $0x2  }
0x75: {  	s0 =	rddreg [dreg:$0x0];
	s2 =	stileid.u32  }
0x76: {  	s1 =	rddreg [dreg:$0x1];
	p0 =	sne.s32 s2, $0x0  }
0x77: {  	s3 =	rddreg [dreg:$0x2];
	[bflag:$0x3] =	sbarrier.arrive $0xFFFF;
	s2 =	simm.s32 @!p0 $0x1C02  }
0x78: {  	[timem:s3], [sflag:s2] =	dma.local @!p0 [hbm:s0], s1  }
0x79: {  	s0 =	simm.s32 @!p0 $0x2  }
0x7a: {  	_ =	swait.ge @!p0 [sflag:s0], s1  }
0x7b: {  	s1 =	ssub.s32 @!p0 $0x0, s1;
	[sflag:s0] =	ssyncset.done @!p0 $0x0  }
0x7c: {  	[sflag:s0] =	ssyncadd.s32 @!p0 s1  }
0x7d: {  	[bflag:$0x3] =	sbarrier.arrive $0xFFFF  }
0x7e: {  	_ =	shalt  }

</sc_bundles>
